<compile_context>
chip_gen: v7x
topology: tpu7x:2x2x1
jax: 0.10.2.dev20260603
libtpu: 0.0.44.dev20260713+nightly
codegen_flags: <defaults>
</compile_context>

<pallas_src>
import functools

import jax
import jax.numpy as jnp
from jax import lax
from jax.experimental import pallas as pl
from jax.experimental.pallas import tpu as pltpu
from jax.experimental.pallas import tpu_sc as plsc

N = 10000
E = 320000
D = 128
H = 32

CHUNK = 128
NCHUNK = E // CHUNK
NW = 32
HW = H // 2


def _encode_body(x_ref, we_ref, be_ref, wd_ref, bd_ref, yp_ref, l1_ref):
    x = x_ref[...]
    y = jnp.dot(x, we_ref[...], preferred_element_type=jnp.float32)
    y = y + be_ref[...]
    xh = jnp.dot(y, wd_ref[...], preferred_element_type=jnp.float32)
    xh = xh + bd_ref[...]
    d = x - xh
    l1_ref[0, 0] = jnp.sum(d * d)
    r = lax.broadcasted_iota(jnp.int32, (H, HW), 0)
    c = lax.broadcasted_iota(jnp.int32, (H, HW), 1)
    sel_e = (r == 2 * c).astype(jnp.float32)
    sel_o = (r == 2 * c + 1).astype(jnp.float32)
    ye = jnp.dot(y, sel_e, preferred_element_type=jnp.float32)
    yo = jnp.dot(y, sel_o, preferred_element_type=jnp.float32)
    ue = lax.bitcast_convert_type(ye.astype(jnp.bfloat16), jnp.uint16)
    uo = lax.bitcast_convert_type(yo.astype(jnp.bfloat16), jnp.uint16)
    yp_ref[...] = lax.shift_left(uo.astype(jnp.int32), 16) | ue.astype(jnp.int32)


def _encode(x, W_e, b_e, W_d, b_d):
    return pl.pallas_call(
        _encode_body,
        out_shape=(
            jax.ShapeDtypeStruct((N, HW), jnp.int32),
            jax.ShapeDtypeStruct((1, 1), jnp.float32),
        ),
        in_specs=[
            pl.BlockSpec(memory_space=pltpu.VMEM),
            pl.BlockSpec(memory_space=pltpu.VMEM),
            pl.BlockSpec(memory_space=pltpu.VMEM),
            pl.BlockSpec(memory_space=pltpu.VMEM),
            pl.BlockSpec(memory_space=pltpu.VMEM),
        ],
        out_specs=(
            pl.BlockSpec(memory_space=pltpu.VMEM),
            pl.BlockSpec(memory_space=pltpu.SMEM),
        ),
    )(x, W_e, b_e.reshape(1, H), W_d, b_d.reshape(1, D))


EPW = E // NW
SUPER = 512
NSUP = -(-EPW // SUPER)


def _sc_body(y_hbm, row_hbm, col_hbm, ew_hbm, out_hbm,
             idxr_v, idxc_v, w_v, acc_v, ra0, rb0, ra1, rb1, sem0, sem1):
    cid = lax.axis_index("c")
    sid = lax.axis_index("s")
    wid = sid * 2 + cid
    w0 = wid * EPW
    iota16 = lax.iota(jnp.int32, 16)
    hi_mask = jnp.full((16,), -65536, jnp.int32)

    c1 = pltpu.async_copy(row_hbm.at[pl.ds(w0, EPW)], idxr_v, sem0)
    c2 = pltpu.async_copy(col_hbm.at[pl.ds(w0, EPW)], idxc_v, sem0)
    c3 = pltpu.async_copy(ew_hbm.at[pl.ds(w0, EPW)], w_v, sem0)
    c1.wait()
    c2.wait()
    c3.wait()

    bufs = ((ra0, rb0, sem0), (ra1, rb1, sem1))

    def loc_of(t):
        return lax.min(t * SUPER, EPW - SUPER)

    def issue(t, b):
        r1, r2, sem = bufs[b]
        loc = loc_of(t)
        pltpu.async_copy(y_hbm.at[idxr_v.at[pl.ds(loc, SUPER)]], r1, sem)
        pltpu.async_copy(y_hbm.at[idxc_v.at[pl.ds(loc, SUPER)]], r2, sem)

    def drain(b):
        r1, r2, sem = bufs[b]
        pltpu.make_async_copy(y_hbm.at[idxr_v.at[pl.ds(0, SUPER)]], r1, sem).wait()
        pltpu.make_async_copy(y_hbm.at[idxc_v.at[pl.ds(0, SUPER)]], r2, sem).wait()

    def compute(t, b, acc2):
        r1, r2, _ = bufs[b]
        loc = loc_of(t)

        def group(g, a):
            e_idx = iota16 + g * 16
            accs = [jnp.zeros((32,), jnp.bfloat16) for _ in range(4)]
            for d2 in range(HW):
                d_vec = jnp.full((16,), d2, jnp.int32)
                v1 = plsc.load_gather(r1, [e_idx, d_vec])
                v2 = plsc.load_gather(r2, [e_idx, d_vec])
                d = plsc.bitcast(v1, jnp.bfloat16) - plsc.bitcast(v2, jnp.bfloat16)
                k = d2 % 4
                accs[k] = accs[k] + d * d
            acc32 = (accs[0] + accs[1]) + (accs[2] + accs[3])
            ai = plsc.bitcast(acc32, jnp.int32)
            lo = plsc.bitcast(lax.shift_left(ai, 16), jnp.float32)
            hi = plsc.bitcast(ai, jnp.float32)
            acc = lo + hi
            tq = acc + 1e-12
            i = plsc.bitcast(tq, jnp.int32)
            y = plsc.bitcast(jnp.int32(0x5F3759DF) - (i >> 1), jnp.float32)
            htq = tq * -0.5
            for _ in range(3):
                y = y * (htq * (y * y) + 1.5)
            dist = tq * y
            wv = w_v[pl.ds(loc + g * 16, 16)]
            fresh = loc + g * 16 >= t * SUPER
            contrib = jnp.where(jnp.full((16,), fresh), dist * wv, 0.0)
            return a + contrib

        return lax.fori_loop(0, SUPER // 16, group, acc2)

    issue(0, 0)

    def step(p, acc2):
        t0 = p * 2
        issue(t0 + 1, 1)
        drain(0)
        acc2 = compute(t0, 0, acc2)

        @pl.when(t0 + 2 < NSUP)
        def _():
            issue(t0 + 2, 0)

        drain(1)
        acc2 = compute(t0 + 1, 1, acc2)
        return acc2

    acc2 = lax.fori_loop(0, NSUP // 2, step, jnp.zeros((16,), jnp.float32))
    acc_v[...] = acc2
    pltpu.sync_copy(acc_v, out_hbm.at[wid])


_sc_edge_loss = functools.partial(
    pl.kernel,
    out_type=jax.ShapeDtypeStruct((NW, 16), jnp.float32),
    mesh=plsc.VectorSubcoreMesh(core_axis_name="c", subcore_axis_name="s"),
    scratch_types=[
        pltpu.VMEM((EPW,), jnp.int32),
        pltpu.VMEM((EPW,), jnp.int32),
        pltpu.VMEM((EPW,), jnp.float32),
        pltpu.VMEM((16,), jnp.float32),
        pltpu.VMEM((SUPER, HW), jnp.int32),
        pltpu.VMEM((SUPER, HW), jnp.int32),
        pltpu.VMEM((SUPER, HW), jnp.int32),
        pltpu.VMEM((SUPER, HW), jnp.int32),
        pltpu.SemaphoreType.DMA,
        pltpu.SemaphoreType.DMA,
    ],
    compiler_params=pltpu.CompilerParams(
        needs_layout_passes=False, use_tc_tiling_on_sc=False),
)(_sc_body)


def _finalize_body(part_ref, l1_ref, out_ref):
    s2 = jnp.sum(part_ref[...])
    out_ref[0] = l1_ref[0, 0] * (1.0 / (N * D)) + s2 * (1.0 / E)


def _finalize(partials, l1):
    return pl.pallas_call(
        _finalize_body,
        out_shape=jax.ShapeDtypeStruct((1,), jnp.float32),
        in_specs=[
            pl.BlockSpec(memory_space=pltpu.VMEM),
            pl.BlockSpec(memory_space=pltpu.SMEM),
        ],
        out_specs=pl.BlockSpec(memory_space=pltpu.SMEM),
    )(partials, l1)


def kernel(x, edge_index, edge_weight, W_e, b_e, W_d, b_d):
    y_packed, l1 = _encode(x, W_e, b_e, W_d, b_d)
    row = edge_index[0]
    col = edge_index[1]
    partials = _sc_edge_loss(y_packed, row, col, edge_weight)
    out = _finalize(partials, l1)
    return out[0]

# --- scband reference (transcript-rebuilt; emitter-appended) ---
"""Pipeline reference for scband-miso-62998580298295 (READ-ONLY COPY).

The authoritative reference and input builder live on the scoring server;
editing this copy changes nothing except your own understanding.
"""

import jax, jax.numpy as jnp
import numpy as np

N = 10000
E = 320000
D = 128
H = 32


def setup_inputs(seed: int = 0) -> dict:
    key = jax.random.key(seed)
    k1, k2, k3, k4, k5 = jax.random.split(key, 5)
    x = jax.random.normal(k1, (N, D), dtype=jnp.float32)
    edge_index = jax.random.randint(k2, (2, E), 0, N, dtype=jnp.int32)
    edge_weight = jax.random.uniform(k3, (E,), dtype=jnp.float32)
    W_e = jax.random.normal(k4, (D, H), dtype=jnp.float32) * 0.05
    b_e = jnp.zeros((H,), dtype=jnp.float32)
    W_d = jax.random.normal(k5, (H, D), dtype=jnp.float32) * 0.05
    b_d = jnp.zeros((D,), dtype=jnp.float32)
    return {"x": x, "edge_index": edge_index, "edge_weight": edge_weight,
            "W_e": W_e, "b_e": b_e, "W_d": W_d, "b_d": b_d}


def reference(x, edge_index, edge_weight, W_e, b_e, W_d, b_d):
    # Autoencoder MLP: encode to embedding Y, decode to x_hat (Miso.MLP)
    Y = x @ W_e + b_e            # get_embeddings(x)
    x_hat = Y @ W_d + b_d        # forward(x)
    # loss1 = MSELoss()(x, x_hat)
    loss1 = jnp.mean((x - x_hat) ** 2)
    # sc_loss: gather embeddings at sparse-adjacency row/col indices
    row = edge_index[0]
    col = edge_index[1]
    rows1 = jnp.take(Y, row, axis=0)
    rows2 = jnp.take(Y, col, axis=0)
    diff = rows1 - rows2
    dist = jnp.sqrt(jnp.sum(diff * diff, axis=1) + 1e-12)
    loss2 = jnp.mean(dist * edge_weight)
    return loss1 + loss2

if __name__ == "__main__":
    import jax
    _d = setup_inputs()
    print(jax.jit(kernel)(*tuple(_d.values())))

</pallas_src>

<mosaic_0001>
#map = affine_map<(d0, d1) -> (0, 0)>
#map1 = affine_map<(d0, d1) -> (0)>
module attributes {stable_mosaic.version = 14 : i64} {
  func.func @_sc_body(%arg0: i32, %arg1: i32, %arg2: memref<10000x16xi32, #tpu.memory_space<hbm>>, %arg3: memref<320000xi32, #tpu.memory_space<hbm>>, %arg4: memref<320000xi32, #tpu.memory_space<hbm>>, %arg5: memref<320000xf32, #tpu.memory_space<hbm>>, %arg6: memref<32x16xf32, #tpu.memory_space<hbm>>, %arg7: memref<10000xi32, #tpu.memory_space<vmem>>, %arg8: memref<10000xi32, #tpu.memory_space<vmem>>, %arg9: memref<10000xf32, #tpu.memory_space<vmem>>, %arg10: memref<16xf32, #tpu.memory_space<vmem>>, %arg11: memref<512x16xi32, #tpu.memory_space<vmem>>, %arg12: memref<512x16xi32, #tpu.memory_space<vmem>>, %arg13: memref<512x16xi32, #tpu.memory_space<vmem>>, %arg14: memref<512x16xi32, #tpu.memory_space<vmem>>, %arg15: memref<!tpu.dma_semaphore, #tpu.memory_space<semaphore_mem>>, %arg16: memref<!tpu.dma_semaphore, #tpu.memory_space<semaphore_mem>>) attributes {dimension_semantics = [#tpu.dimension_semantics<core_parallel>, #tpu.dimension_semantics<subcore_parallel>], iteration_bounds = array<i64: 2, 16>, scalar_prefetch = 0 : i64, scratch_operands = 10 : i64, tpu.core_type = #tpu.core_type<sc_vector_subcore>, window_params = [{transform_indices = #map}, {transform_indices = #map1}, {transform_indices = #map1}, {transform_indices = #map1}, {transform_indices = #map}]} {
    %mul3A = arith.constant 2 : i32
    %mul3A_0 = arith.muli %arg1, %mul3A : i32
    %add3A = arith.addi %mul3A_0, %arg0 : i32
    %mul3A_1 = arith.constant 10000 : i32
    %mul3A_2 = arith.muli %add3A, %mul3A_1 : i32
    %iota3A = tpu.iota {dimensions = array<i32: 0>} : vector<16xi32>
    %broadcast_in_dim3A = arith.constant -65536 : i32
    %broadcast_in_dim3A_3 = vector.broadcast %broadcast_in_dim3A : i32 to vector<16xi32>
    %dma_start3A = tpu.memref_slice %arg3[%mul3A_2] : memref<320000xi32, #tpu.memory_space<hbm>> -> memref<10000xi32, #tpu.memory_space<hbm>>
    %dma_start3A_4 = tpu.memref_slice %arg3[%mul3A_2] : memref<320000xi32, #tpu.memory_space<hbm>> -> memref<10000xi32, #tpu.memory_space<hbm>>
    tpu.enqueue_dma source(%dma_start3A_4 : memref<10000xi32, #tpu.memory_space<hbm>>) target(%arg7 : memref<10000xi32, #tpu.memory_space<vmem>>) target_semaphore(%arg15 : memref<!tpu.dma_semaphore, #tpu.memory_space<semaphore_mem>>)
    %dma_start3A_5 = tpu.memref_slice %arg4[%mul3A_2] : memref<320000xi32, #tpu.memory_space<hbm>> -> memref<10000xi32, #tpu.memory_space<hbm>>
    %dma_start3A_6 = tpu.memref_slice %arg4[%mul3A_2] : memref<320000xi32, #tpu.memory_space<hbm>> -> memref<10000xi32, #tpu.memory_space<hbm>>
    tpu.enqueue_dma source(%dma_start3A_6 : memref<10000xi32, #tpu.memory_space<hbm>>) target(%arg8 : memref<10000xi32, #tpu.memory_space<vmem>>) target_semaphore(%arg15 : memref<!tpu.dma_semaphore, #tpu.memory_space<semaphore_mem>>)
    %dma_start3A_7 = tpu.memref_slice %arg5[%mul3A_2] : memref<320000xf32, #tpu.memory_space<hbm>> -> memref<10000xf32, #tpu.memory_space<hbm>>
    %dma_start3A_8 = tpu.memref_slice %arg5[%mul3A_2] : memref<320000xf32, #tpu.memory_space<hbm>> -> memref<10000xf32, #tpu.memory_space<hbm>>
    tpu.enqueue_dma source(%dma_start3A_8 : memref<10000xf32, #tpu.memory_space<hbm>>) target(%arg9 : memref<10000xf32, #tpu.memory_space<vmem>>) target_semaphore(%arg15 : memref<!tpu.dma_semaphore, #tpu.memory_space<semaphore_mem>>)
    %dma_wait3A = tpu.memref_slice %arg3[%mul3A_2] : memref<320000xi32, #tpu.memory_space<hbm>> -> memref<10000xi32, #tpu.memory_space<hbm>>
    %dma_wait3A_9 = tpu.memref_slice %arg3[%mul3A_2] : memref<320000xi32, #tpu.memory_space<hbm>> -> memref<10000xi32, #tpu.memory_space<hbm>>
    tpu.wait_dma2 semaphore(%arg15 : memref<!tpu.dma_semaphore, #tpu.memory_space<semaphore_mem>>) src(%dma_wait3A_9 : memref<10000xi32, #tpu.memory_space<hbm>>) dst(%arg7 : memref<10000xi32, #tpu.memory_space<vmem>>)
    %dma_wait3A_10 = tpu.memref_slice %arg4[%mul3A_2] : memref<320000xi32, #tpu.memory_space<hbm>> -> memref<10000xi32, #tpu.memory_space<hbm>>
    %dma_wait3A_11 = tpu.memref_slice %arg4[%mul3A_2] : memref<320000xi32, #tpu.memory_space<hbm>> -> memref<10000xi32, #tpu.memory_space<hbm>>
    tpu.wait_dma2 semaphore(%arg15 : memref<!tpu.dma_semaphore, #tpu.memory_space<semaphore_mem>>) src(%dma_wait3A_11 : memref<10000xi32, #tpu.memory_space<hbm>>) dst(%arg8 : memref<10000xi32, #tpu.memory_space<vmem>>)
    %dma_wait3A_12 = tpu.memref_slice %arg5[%mul3A_2] : memref<320000xf32, #tpu.memory_space<hbm>> -> memref<10000xf32, #tpu.memory_space<hbm>>
    %dma_wait3A_13 = tpu.memref_slice %arg5[%mul3A_2] : memref<320000xf32, #tpu.memory_space<hbm>> -> memref<10000xf32, #tpu.memory_space<hbm>>
    tpu.wait_dma2 semaphore(%arg15 : memref<!tpu.dma_semaphore, #tpu.memory_space<semaphore_mem>>) src(%dma_wait3A_13 : memref<10000xf32, #tpu.memory_space<hbm>>) dst(%arg9 : memref<10000xf32, #tpu.memory_space<vmem>>)
    %min3A = arith.constant 0 : i32
    %min3A_14 = arith.constant 9488 : i32
    %min3A_15 = arith.minsi %min3A, %min3A_14 : i32
    %dma_start3A_16 = tpu.memref_slice %arg7[%min3A_15] : memref<10000xi32, #tpu.memory_space<vmem>> -> memref<512xi32, #tpu.memory_space<vmem>>
    %dma_start3A_17 = arith.constant 0 : i32
    %dma_start3A_18 = arith.constant 0 : i32
    %dma_start3A_19 = tpu.memref_slice %arg2[%dma_start3A_17, %dma_start3A_18] : memref<10000x16xi32, #tpu.memory_space<hbm>> -> memref<10000x16xi32, #tpu.memory_space<hbm>>
    tpu.enqueue_indirect_dma source(%dma_start3A_19 : memref<10000x16xi32, #tpu.memory_space<hbm>>) target(%arg11 : memref<512x16xi32, #tpu.memory_space<vmem>>) offsets(%dma_start3A_16 : memref<512xi32, #tpu.memory_space<vmem>>) semaphore(%arg15 : memref<!tpu.dma_semaphore, #tpu.memory_space<semaphore_mem>>)
    %dma_start3A_20 = tpu.memref_slice %arg8[%min3A_15] : memref<10000xi32, #tpu.memory_space<vmem>> -> memref<512xi32, #tpu.memory_space<vmem>>
    %dma_start3A_21 = arith.constant 0 : i32
    %dma_start3A_22 = arith.constant 0 : i32
    %dma_start3A_23 = tpu.memref_slice %arg2[%dma_start3A_21, %dma_start3A_22] : memref<10000x16xi32, #tpu.memory_space<hbm>> -> memref<10000x16xi32, #tpu.memory_space<hbm>>
    tpu.enqueue_indirect_dma source(%dma_start3A_23 : memref<10000x16xi32, #tpu.memory_space<hbm>>) target(%arg12 : memref<512x16xi32, #tpu.memory_space<vmem>>) offsets(%dma_start3A_20 : memref<512xi32, #tpu.memory_space<vmem>>) semaphore(%arg15 : memref<!tpu.dma_semaphore, #tpu.memory_space<semaphore_mem>>)
    %broadcast_in_dim3A_24 = arith.constant 0.000000e+00 : f32
    %broadcast_in_dim3A_25 = vector.broadcast %broadcast_in_dim3A_24 : f32 to vector<16xf32>
    %scan3A = arith.constant 0 : i32
    %scan3A_26 = arith.constant 10 : i32
    %scan3A_27 = arith.addi %scan3A, %scan3A_26 : i32
    %scan3A_28 = arith.constant 1 : i32
    %scan3A_29 = scf.for %scan3A_32 = %scan3A to %scan3A_27 step %scan3A_28 iter_args(%scan3A_33 = %broadcast_in_dim3A_25) -> (vector<16xf32>)  : i32 {
      %mul3A_34 = arith.constant 2 : i32
      %mul3A_35 = arith.muli %scan3A_32, %mul3A_34 : i32
      %add3A_36 = arith.constant 1 : i32
      %add3A_37 = arith.addi %mul3A_35, %add3A_36 : i32
      %mul3A_38 = arith.constant 512 : i32
      %mul3A_39 = arith.muli %add3A_37, %mul3A_38 : i32
      %min3A_40 = arith.constant 9488 : i32
      %min3A_41 = arith.minsi %mul3A_39, %min3A_40 : i32
      %dma_start3A_42 = tpu.memref_slice %arg7[%min3A_41] : memref<10000xi32, #tpu.memory_space<vmem>> -> memref<512xi32, #tpu.memory_space<vmem>>
      %dma_start3A_43 = arith.constant 0 : i32
      %dma_start3A_44 = arith.constant 0 : i32
      %dma_start3A_45 = tpu.memref_slice %arg2[%dma_start3A_43, %dma_start3A_44] : memref<10000x16xi32, #tpu.memory_space<hbm>> -> memref<10000x16xi32, #tpu.memory_space<hbm>>
      tpu.enqueue_indirect_dma source(%dma_start3A_45 : memref<10000x16xi32, #tpu.memory_space<hbm>>) target(%arg13 : memref<512x16xi32, #tpu.memory_space<vmem>>) offsets(%dma_start3A_42 : memref<512xi32, #tpu.memory_space<vmem>>) semaphore(%arg16 : memref<!tpu.dma_semaphore, #tpu.memory_space<semaphore_mem>>)
      %dma_start3A_46 = tpu.memref_slice %arg8[%min3A_41] : memref<10000xi32, #tpu.memory_space<vmem>> -> memref<512xi32, #tpu.memory_space<vmem>>
      %dma_start3A_47 = arith.constant 0 : i32
      %dma_start3A_48 = arith.constant 0 : i32
      %dma_start3A_49 = tpu.memref_slice %arg2[%dma_start3A_47, %dma_start3A_48] : memref<10000x16xi32, #tpu.memory_space<hbm>> -> memref<10000x16xi32, #tpu.memory_space<hbm>>
      tpu.enqueue_indirect_dma source(%dma_start3A_49 : memref<10000x16xi32, #tpu.memory_space<hbm>>) target(%arg14 : memref<512x16xi32, #tpu.memory_space<vmem>>) offsets(%dma_start3A_46 : memref<512xi32, #tpu.memory_space<vmem>>) semaphore(%arg16 : memref<!tpu.dma_semaphore, #tpu.memory_space<semaphore_mem>>)
      %dma_wait3A_50 = arith.constant 0 : i32
      %dma_wait3A_51 = tpu.memref_slice %arg7[%dma_wait3A_50] : memref<10000xi32, #tpu.memory_space<vmem>> -> memref<512xi32, #tpu.memory_space<vmem>>
      %dma_wait3A_52 = arith.constant 0 : i32
      %dma_wait3A_53 = arith.constant 0 : i32
      %dma_wait3A_54 = tpu.memref_slice %arg2[%dma_wait3A_52, %dma_wait3A_53] : memref<10000x16xi32, #tpu.memory_space<hbm>> -> memref<10000x16xi32, #tpu.memory_space<hbm>>
      tpu.wait_indirect_dma semaphore(%arg15 : memref<!tpu.dma_semaphore, #tpu.memory_space<semaphore_mem>>) src(%dma_wait3A_54 : memref<10000x16xi32, #tpu.memory_space<hbm>>) dst(%arg11 : memref<512x16xi32, #tpu.memory_space<vmem>>)
      %dma_wait3A_55 = arith.constant 0 : i32
      %dma_wait3A_56 = tpu.memref_slice %arg8[%dma_wait3A_55] : memref<10000xi32, #tpu.memory_space<vmem>> -> memref<512xi32, #tpu.memory_space<vmem>>
      %dma_wait3A_57 = arith.constant 0 : i32
      %dma_wait3A_58 = arith.constant 0 : i32
      %dma_wait3A_59 = tpu.memref_slice %arg2[%dma_wait3A_57, %dma_wait3A_58] : memref<10000x16xi32, #tpu.memory_space<hbm>> -> memref<10000x16xi32, #tpu.memory_space<hbm>>
      tpu.wait_indirect_dma semaphore(%arg15 : memref<!tpu.dma_semaphore, #tpu.memory_space<semaphore_mem>>) src(%dma_wait3A_59 : memref<10000x16xi32, #tpu.memory_space<hbm>>) dst(%arg12 : memref<512x16xi32, #tpu.memory_space<vmem>>)
      %mul3A_60 = arith.constant 512 : i32
      %mul3A_61 = arith.muli %mul3A_35, %mul3A_60 : i32
      %min3A_62 = arith.constant 9488 : i32
      %min3A_63 = arith.minsi %mul3A_61, %min3A_62 : i32
      %scan3A_64 = arith.constant 0 : i32
      %scan3A_65 = arith.constant 32 : i32
      %scan3A_66 = arith.addi %scan3A_64, %scan3A_65 : i32
      %scan3A_67 = arith.constant 1 : i32
      %scan3A_68 = scf.for %scan3A_96 = %scan3A_64 to %scan3A_66 step %scan3A_67 iter_args(%scan3A_97 = %scan3A_33) -> (vector<16xf32>)  : i32 {
        %mul3A_98 = arith.constant 16 : i32
        %mul3A_99 = arith.muli %scan3A_96, %mul3A_98 : i32
        %add3A_100 = vector.broadcast %mul3A_99 : i32 to vector<16xi32>
        %add3A_101 = arith.addi %iota3A, %add3A_100 : vector<16xi32>
        %broadcast_in_dim3A_102 = arith.constant 0.000000e+00 : bf16
        %broadcast_in_dim3A_103 = vector.broadcast %broadcast_in_dim3A_102 : bf16 to vector<32xbf16>
        %broadcast_in_dim3A_104 = arith.constant 0.000000e+00 : bf16
        %broadcast_in_dim3A_105 = vector.broadcast %broadcast_in_dim3A_104 : bf16 to vector<32xbf16>
        %broadcast_in_dim3A_106 = arith.constant 0.000000e+00 : bf16
        %broadcast_in_dim3A_107 = vector.broadcast %broadcast_in_dim3A_106 : bf16 to vector<32xbf16>
        %broadcast_in_dim3A_108 = arith.constant 0.000000e+00 : bf16
        %broadcast_in_dim3A_109 = vector.broadcast %broadcast_in_dim3A_108 : bf16 to vector<32xbf16>
        %broadcast_in_dim3A_110 = arith.constant 0 : i32
        %broadcast_in_dim3A_111 = vector.broadcast %broadcast_in_dim3A_110 : i32 to vector<16xi32>
        %gather3A = tpu.vector_load_idx %arg11[%add3A_101, %broadcast_in_dim3A_111] : memref<512x16xi32, #tpu.memory_space<vmem>>[vector<16xi32>, vector<16xi32>], vector<16xi32>,
        %gather3A_112 = tpu.vector_load_idx %arg12[%add3A_101, %broadcast_in_dim3A_111] : memref<512x16xi32, #tpu.memory_space<vmem>>[vector<16xi32>, vector<16xi32>], vector<16xi32>,
        %bitcast3A = vector.bitcast %gather3A : vector<16xi32> to vector<32xbf16>
        %bitcast3A_113 = vector.bitcast %gather3A_112 : vector<16xi32> to vector<32xbf16>
        %sub3A = arith.subf %bitcast3A, %bitcast3A_113 : vector<32xbf16>
        %mul3A_114 = arith.mulf %sub3A, %sub3A : vector<32xbf16>
        %add3A_115 = arith.addf %broadcast_in_dim3A_103, %mul3A_114 : vector<32xbf16>
        %broadcast_in_dim3A_116 = arith.constant 1 : i32
        %broadcast_in_dim3A_117 = vector.broadcast %broadcast_in_dim3A_116 : i32 to vector<16xi32>
        %gather3A_118 = tpu.vector_load_idx %arg11[%add3A_101, %broadcast_in_dim3A_117] : memref<512x16xi32, #tpu.memory_space<vmem>>[vector<16xi32>, vector<16xi32>], vector<16xi32>,
        %gather3A_119 = tpu.vector_load_idx %arg12[%add3A_101, %broadcast_in_dim3A_117] : memref<512x16xi32, #tpu.memory_space<vmem>>[vector<16xi32>, vector<16xi32>], vector<16xi32>,
        %bitcast3A_120 = vector.bitcast %gather3A_118 : vector<16xi32> to vector<32xbf16>
        %bitcast3A_121 = vector.bitcast %gather3A_119 : vector<16xi32> to vector<32xbf16>
        %sub3A_122 = arith.subf %bitcast3A_120, %bitcast3A_121 : vector<32xbf16>
        %mul3A_123 = arith.mulf %sub3A_122, %sub3A_122 : vector<32xbf16>
        %add3A_124 = arith.addf %broadcast_in_dim3A_105, %mul3A_123 : vector<32xbf16>
        %broadcast_in_dim3A_125 = arith.constant 2 : i32
        %broadcast_in_dim3A_126 = vector.broadcast %broadcast_in_dim3A_125 : i32 to vector<16xi32>
        %gather3A_127 = tpu.vector_load_idx %arg11[%add3A_101, %broadcast_in_dim3A_126] : memref<512x16xi32, #tpu.memory_space<vmem>>[vector<16xi32>, vector<16xi32>], vector<16xi32>,
        %gather3A_128 = tpu.vector_load_idx %arg12[%add3A_101, %broadcast_in_dim3A_126] : memref<512x16xi32, #tpu.memory_space<vmem>>[vector<16xi32>, vector<16xi32>], vector<16xi32>,
        %bitcast3A_129 = vector.bitcast %gather3A_127 : vector<16xi32> to vector<32xbf16>
        %bitcast3A_130 = vector.bitcast %gather3A_128 : vector<16xi32> to vector<32xbf16>
        %sub3A_131 = arith.subf %bitcast3A_129, %bitcast3A_130 : vector<32xbf16>
        %mul3A_132 = arith.mulf %sub3A_131, %sub3A_131 : vector<32xbf16>
        %add3A_133 = arith.addf %broadcast_in_dim3A_107, %mul3A_132 : vector<32xbf16>
        %broadcast_in_dim3A_134 = arith.constant 3 : i32
        %broadcast_in_dim3A_135 = vector.broadcast %broadcast_in_dim3A_134 : i32 to vector<16xi32>
        %gather3A_136 = tpu.vector_load_idx %arg11[%add3A_101, %broadcast_in_dim3A_135] : memref<512x16xi32, #tpu.memory_space<vmem>>[vector<16xi32>, vector<16xi32>], vector<16xi32>,
        %gather3A_137 = tpu.vector_load_idx %arg12[%add3A_101, %broadcast_in_dim3A_135] : memref<512x16xi32, #tpu.memory_space<vmem>>[vector<16xi32>, vector<16xi32>], vector<16xi32>,
        %bitcast3A_138 = vector.bitcast %gather3A_136 : vector<16xi32> to vector<32xbf16>
        %bitcast3A_139 = vector.bitcast %gather3A_137 : vector<16xi32> to vector<32xbf16>
        %sub3A_140 = arith.subf %bitcast3A_138, %bitcast3A_139 : vector<32xbf16>
        %mul3A_141 = arith.mulf %sub3A_140, %sub3A_140 : vector<32xbf16>
        %add3A_142 = arith.addf %broadcast_in_dim3A_109, %mul3A_141 : vector<32xbf16>
        %broadcast_in_dim3A_143 = arith.constant 4 : i32
        %broadcast_in_dim3A_144 = vector.broadcast %broadcast_in_dim3A_143 : i32 to vector<16xi32>
        %gather3A_145 = tpu.vector_load_idx %arg11[%add3A_101, %broadcast_in_dim3A_144] : memref<512x16xi32, #tpu.memory_space<vmem>>[vector<16xi32>, vector<16xi32>], vector<16xi32>,
        %gather3A_146 = tpu.vector_load_idx %arg12[%add3A_101, %broadcast_in_dim3A_144] : memref<512x16xi32, #tpu.memory_space<vmem>>[vector<16xi32>, vector<16xi32>], vector<16xi32>,
        %bitcast3A_147 = vector.bitcast %gather3A_145 : vector<16xi32> to vector<32xbf16>
        %bitcast3A_148 = vector.bitcast %gather3A_146 : vector<16xi32> to vector<32xbf16>
        %sub3A_149 = arith.subf %bitcast3A_147, %bitcast3A_148 : vector<32xbf16>
        %mul3A_150 = arith.mulf %sub3A_149, %sub3A_149 : vector<32xbf16>
        %add3A_151 = arith.addf %add3A_115, %mul3A_150 : vector<32xbf16>
        %broadcast_in_dim3A_152 = arith.constant 5 : i32
        %broadcast_in_dim3A_153 = vector.broadcast %broadcast_in_dim3A_152 : i32 to vector<16xi32>
        %gather3A_154 = tpu.vector_load_idx %arg11[%add3A_101, %broadcast_in_dim3A_153] : memref<512x16xi32, #tpu.memory_space<vmem>>[vector<16xi32>, vector<16xi32>], vector<16xi32>,
        %gather3A_155 = tpu.vector_load_idx %arg12[%add3A_101, %broadcast_in_dim3A_153] : memref<512x16xi32, #tpu.memory_space<vmem>>[vector<16xi32>, vector<16xi32>], vector<16xi32>,
        %bitcast3A_156 = vector.bitcast %gather3A_154 : vector<16xi32> to vector<32xbf16>
        %bitcast3A_157 = vector.bitcast %gather3A_155 : vector<16xi32> to vector<32xbf16>
        %sub3A_158 = arith.subf %bitcast3A_156, %bitcast3A_157 : vector<32xbf16>
        %mul3A_159 = arith.mulf %sub3A_158, %sub3A_158 : vector<32xbf16>
        %add3A_160 = arith.addf %add3A_124, %mul3A_159 : vector<32xbf16>
        %broadcast_in_dim3A_161 = arith.constant 6 : i32
        %broadcast_in_dim3A_162 = vector.broadcast %broadcast_in_dim3A_161 : i32 to vector<16xi32>
        %gather3A_163 = tpu.vector_load_idx %arg11[%add3A_101, %broadcast_in_dim3A_162] : memref<512x16xi32, #tpu.memory_space<vmem>>[vector<16xi32>, vector<16xi32>], vector<16xi32>,
        %gather3A_164 = tpu.vector_load_idx %arg12[%add3A_101, %broadcast_in_dim3A_162] : memref<512x16xi32, #tpu.memory_space<vmem>>[vector<16xi32>, vector<16xi32>], vector<16xi32>,
        %bitcast3A_165 = vector.bitcast %gather3A_163 : vector<16xi32> to vector<32xbf16>
        %bitcast3A_166 = vector.bitcast %gather3A_164 : vector<16xi32> to vector<32xbf16>
        %sub3A_167 = arith.subf %bitcast3A_165, %bitcast3A_166 : vector<32xbf16>
        %mul3A_168 = arith.mulf %sub3A_167, %sub3A_167 : vector<32xbf16>
        %add3A_169 = arith.addf %add3A_133, %mul3A_168 : vector<32xbf16>
        %broadcast_in_dim3A_170 = arith.constant 7 : i32
        %broadcast_in_dim3A_171 = vector.broadcast %broadcast_in_dim3A_170 : i32 to vector<16xi32>
        %gather3A_172 = tpu.vector_load_idx %arg11[%add3A_101, %broadcast_in_dim3A_171] : memref<512x16xi32, #tpu.memory_space<vmem>>[vector<16xi32>, vector<16xi32>], vector<16xi32>,
        %gather3A_173 = tpu.vector_load_idx %arg12[%add3A_101, %broadcast_in_dim3A_171] : memref<512x16xi32, #tpu.memory_space<vmem>>[vector<16xi32>, vector<16xi32>], vector<16xi32>,
        %bitcast3A_174 = vector.bitcast %gather3A_172 : vector<16xi32> to vector<32xbf16>
        %bitcast3A_175 = vector.bitcast %gather3A_173 : vector<16xi32> to vector<32xbf16>
        %sub3A_176 = arith.subf %bitcast3A_174, %bitcast3A_175 : vector<32xbf16>
        %mul3A_177 = arith.mulf %sub3A_176, %sub3A_176 : vector<32xbf16>
        %add3A_178 = arith.addf %add3A_142, %mul3A_177 : vector<32xbf16>
        %broadcast_in_dim3A_179 = arith.constant 8 : i32
        %broadcast_in_dim3A_180 = vector.broadcast %broadcast_in_dim3A_179 : i32 to vector<16xi32>
        %gather3A_181 = tpu.vector_load_idx %arg11[%add3A_101, %broadcast_in_dim3A_180] : memref<512x16xi32, #tpu.memory_space<vmem>>[vector<16xi32>, vector<16xi32>], vector<16xi32>,
        %gather3A_182 = tpu.vector_load_idx %arg12[%add3A_101, %broadcast_in_dim3A_180] : memref<512x16xi32, #tpu.memory_space<vmem>>[vector<16xi32>, vector<16xi32>], vector<16xi32>,
        %bitcast3A_183 = vector.bitcast %gather3A_181 : vector<16xi32> to vector<32xbf16>
        %bitcast3A_184 = vector.bitcast %gather3A_182 : vector<16xi32> to vector<32xbf16>
        %sub3A_185 = arith.subf %bitcast3A_183, %bitcast3A_184 : vector<32xbf16>
        %mul3A_186 = arith.mulf %sub3A_185, %sub3A_185 : vector<32xbf16>
        %add3A_187 = arith.addf %add3A_151, %mul3A_186 : vector<32xbf16>
        %broadcast_in_dim3A_188 = arith.constant 9 : i32
        %broadcast_in_dim3A_189 = vector.broadcast %broadcast_in_dim3A_188 : i32 to vector<16xi32>
        %gather3A_190 = tpu.vector_load_idx %arg11[%add3A_101, %broadcast_in_dim3A_189] : memref<512x16xi32, #tpu.memory_space<vmem>>[vector<16xi32>, vector<16xi32>], vector<16xi32>,
        %gather3A_191 = tpu.vector_load_idx %arg12[%add3A_101, %broadcast_in_dim3A_189] : memref<512x16xi32, #tpu.memory_space<vmem>>[vector<16xi32>, vector<16xi32>], vector<16xi32>,
        %bitcast3A_192 = vector.bitcast %gather3A_190 : vector<16xi32> to vector<32xbf16>
        %bitcast3A_193 = vector.bitcast %gather3A_191 : vector<16xi32> to vector<32xbf16>
        %sub3A_194 = arith.subf %bitcast3A_192, %bitcast3A_193 : vector<32xbf16>
        %mul3A_195 = arith.mulf %sub3A_194, %sub3A_194 : vector<32xbf16>
        %add3A_196 = arith.addf %add3A_160, %mul3A_195 : vector<32xbf16>
        %broadcast_in_dim3A_197 = arith.constant 10 : i32
        %broadcast_in_dim3A_198 = vector.broadcast %broadcast_in_dim3A_197 : i32 to vector<16xi32>
        %gather3A_199 = tpu.vector_load_idx %arg11[%add3A_101, %broadcast_in_dim3A_198] : memref<512x16xi32, #tpu.memory_space<vmem>>[vector<16xi32>, vector<16xi32>], vector<16xi32>,
        %gather3A_200 = tpu.vector_load_idx %arg12[%add3A_101, %broadcast_in_dim3A_198] : memref<512x16xi32, #tpu.memory_space<vmem>>[vector<16xi32>, vector<16xi32>], vector<16xi32>,
        %bitcast3A_201 = vector.bitcast %gather3A_199 : vector<16xi32> to vector<32xbf16>
        %bitcast3A_202 = vector.bitcast %gather3A_200 : vector<16xi32> to vector<32xbf16>
        %sub3A_203 = arith.subf %bitcast3A_201, %bitcast3A_202 : vector<32xbf16>
        %mul3A_204 = arith.mulf %sub3A_203, %sub3A_203 : vector<32xbf16>
        %add3A_205 = arith.addf %add3A_169, %mul3A_204 : vector<32xbf16>
        %broadcast_in_dim3A_206 = arith.constant 11 : i32
        %broadcast_in_dim3A_207 = vector.broadcast %broadcast_in_dim3A_206 : i32 to vector<16xi32>
        %gather3A_208 = tpu.vector_load_idx %arg11[%add3A_101, %broadcast_in_dim3A_207] : memref<512x16xi32, #tpu.memory_space<vmem>>[vector<16xi32>, vector<16xi32>], vector<16xi32>,
        %gather3A_209 = tpu.vector_load_idx %arg12[%add3A_101, %broadcast_in_dim3A_207] : memref<512x16xi32, #tpu.memory_space<vmem>>[vector<16xi32>, vector<16xi32>], vector<16xi32>,
        %bitcast3A_210 = vector.bitcast %gather3A_208 : vector<16xi32> to vector<32xbf16>
        %bitcast3A_211 = vector.bitcast %gather3A_209 : vector<16xi32> to vector<32xbf16>
        %sub3A_212 = arith.subf %bitcast3A_210, %bitcast3A_211 : vector<32xbf16>
        %mul3A_213 = arith.mulf %sub3A_212, %sub3A_212 : vector<32xbf16>
        %add3A_214 = arith.addf %add3A_178, %mul3A_213 : vector<32xbf16>
        %broadcast_in_dim3A_215 = arith.constant 12 : i32
        %broadcast_in_dim3A_216 = vector.broadcast %broadcast_in_dim3A_215 : i32 to vector<16xi32>
        %gather3A_217 = tpu.vector_load_idx %arg11[%add3A_101, %broadcast_in_dim3A_216] : memref<512x16xi32, #tpu.memory_space<vmem>>[vector<16xi32>, vector<16xi32>], vector<16xi32>,
        %gather3A_218 = tpu.vector_load_idx %arg12[%add3A_101, %broadcast_in_dim3A_216] : memref<512x16xi32, #tpu.memory_space<vmem>>[vector<16xi32>, vector<16xi32>], vector<16xi32>,
        %bitcast3A_219 = vector.bitcast %gather3A_217 : vector<16xi32> to vector<32xbf16>
        %bitcast3A_220 = vector.bitcast %gather3A_218 : vector<16xi32> to vector<32xbf16>
        %sub3A_221 = arith.subf %bitcast3A_219, %bitcast3A_220 : vector<32xbf16>
        %mul3A_222 = arith.mulf %sub3A_221, %sub3A_221 : vector<32xbf16>
        %add3A_223 = arith.addf %add3A_187, %mul3A_222 : vector<32xbf16>
        %broadcast_in_dim3A_224 = arith.constant 13 : i32
        %broadcast_in_dim3A_225 = vector.broadcast %broadcast_in_dim3A_224 : i32 to vector<16xi32>
        %gather3A_226 = tpu.vector_load_idx %arg11[%add3A_101, %broadcast_in_dim3A_225] : memref<512x16xi32, #tpu.memory_space<vmem>>[vector<16xi32>, vector<16xi32>], vector<16xi32>,
        %gather3A_227 = tpu.vector_load_idx %arg12[%add3A_101, %broadcast_in_dim3A_225] : memref<512x16xi32, #tpu.memory_space<vmem>>[vector<16xi32>, vector<16xi32>], vector<16xi32>,
        %bitcast3A_228 = vector.bitcast %gather3A_226 : vector<16xi32> to vector<32xbf16>
        %bitcast3A_229 = vector.bitcast %gather3A_227 : vector<16xi32> to vector<32xbf16>
        %sub3A_230 = arith.subf %bitcast3A_228, %bitcast3A_229 : vector<32xbf16>
        %mul3A_231 = arith.mulf %sub3A_230, %sub3A_230 : vector<32xbf16>
        %add3A_232 = arith.addf %add3A_196, %mul3A_231 : vector<32xbf16>
        %broadcast_in_dim3A_233 = arith.constant 14 : i32
        %broadcast_in_dim3A_234 = vector.broadcast %broadcast_in_dim3A_233 : i32 to vector<16xi32>
        %gather3A_235 = tpu.vector_load_idx %arg11[%add3A_101, %broadcast_in_dim3A_234] : memref<512x16xi32, #tpu.memory_space<vmem>>[vector<16xi32>, vector<16xi32>], vector<16xi32>,
        %gather3A_236 = tpu.vector_load_idx %arg12[%add3A_101, %broadcast_in_dim3A_234] : memref<512x16xi32, #tpu.memory_space<vmem>>[vector<16xi32>, vector<16xi32>], vector<16xi32>,
        %bitcast3A_237 = vector.bitcast %gather3A_235 : vector<16xi32> to vector<32xbf16>
        %bitcast3A_238 = vector.bitcast %gather3A_236 : vector<16xi32> to vector<32xbf16>
        %sub3A_239 = arith.subf %bitcast3A_237, %bitcast3A_238 : vector<32xbf16>
        %mul3A_240 = arith.mulf %sub3A_239, %sub3A_239 : vector<32xbf16>
        %add3A_241 = arith.addf %add3A_205, %mul3A_240 : vector<32xbf16>
        %broadcast_in_dim3A_242 = arith.constant 15 : i32
        %broadcast_in_dim3A_243 = vector.broadcast %broadcast_in_dim3A_242 : i32 to vector<16xi32>
        %gather3A_244 = tpu.vector_load_idx %arg11[%add3A_101, %broadcast_in_dim3A_243] : memref<512x16xi32, #tpu.memory_space<vmem>>[vector<16xi32>, vector<16xi32>], vector<16xi32>,
        %gather3A_245 = tpu.vector_load_idx %arg12[%add3A_101, %broadcast_in_dim3A_243] : memref<512x16xi32, #tpu.memory_space<vmem>>[vector<16xi32>, vector<16xi32>], vector<16xi32>,
        %bitcast3A_246 = vector.bitcast %gather3A_244 : vector<16xi32> to vector<32xbf16>
        %bitcast3A_247 = vector.bitcast %gather3A_245 : vector<16xi32> to vector<32xbf16>
        %sub3A_248 = arith.subf %bitcast3A_246, %bitcast3A_247 : vector<32xbf16>
        %mul3A_249 = arith.mulf %sub3A_248, %sub3A_248 : vector<32xbf16>
        %add3A_250 = arith.addf %add3A_214, %mul3A_249 : vector<32xbf16>
        %add3A_251 = arith.addf %add3A_223, %add3A_232 : vector<32xbf16>
        %add3A_252 = arith.addf %add3A_241, %add3A_250 : vector<32xbf16>
        %add3A_253 = arith.addf %add3A_251, %add3A_252 : vector<32xbf16>
        %bitcast3A_254 = vector.bitcast %add3A_253 : vector<32xbf16> to vector<16xi32>
        %shift_left3A = arith.constant 16 : i32
        %shift_left3A_255 = vector.broadcast %shift_left3A : i32 to vector<16xi32>
        %shift_left3A_256 = arith.shli %bitcast3A_254, %shift_left3A_255 : vector<16xi32>
        %bitcast3A_257 = vector.bitcast %shift_left3A_256 : vector<16xi32> to vector<16xf32>
        %bitcast3A_258 = vector.bitcast %bitcast3A_254 : vector<16xi32> to vector<16xf32>
        %add3A_259 = arith.addf %bitcast3A_257, %bitcast3A_258 : vector<16xf32>
        %add3A_260 = arith.constant 9.99999996E-13 : f32
        %add3A_261 = vector.broadcast %add3A_260 : f32 to vector<16xf32>
        %add3A_262 = arith.addf %add3A_259, %add3A_261 : vector<16xf32>
        %bitcast3A_263 = vector.bitcast %add3A_262 : vector<16xf32> to vector<16xi32>
        %shift_right_arithmetic3A = arith.constant 1 : i32
        %shift_right_arithmetic3A_264 = vector.broadcast %shift_right_arithmetic3A : i32 to vector<16xi32>
        %shift_right_arithmetic3A_265 = arith.shrsi %bitcast3A_263, %shift_right_arithmetic3A_264 : vector<16xi32>
        %sub3A_266 = arith.constant 1597463007 : i32
        %sub3A_267 = vector.broadcast %sub3A_266 : i32 to vector<16xi32>
        %sub3A_268 = arith.subi %sub3A_267, %shift_right_arithmetic3A_265 : vector<16xi32>
        %bitcast3A_269 = vector.bitcast %sub3A_268 : vector<16xi32> to vector<16xf32>
        %mul3A_270 = arith.constant -5.000000e-01 : f32
        %mul3A_271 = vector.broadcast %mul3A_270 : f32 to vector<16xf32>
        %mul3A_272 = arith.mulf %add3A_262, %mul3A_271 : vector<16xf32>
        %mul3A_273 = arith.mulf %bitcast3A_269, %bitcast3A_269 : vector<16xf32>
        %mul3A_274 = arith.mulf %mul3A_272, %mul3A_273 : vector<16xf32>
        %add3A_275 = arith.constant 1.500000e+00 : f32
        %add3A_276 = vector.broadcast %add3A_275 : f32 to vector<16xf32>
        %add3A_277 = arith.addf %mul3A_274, %add3A_276 : vector<16xf32>
        %mul3A_278 = arith.mulf %bitcast3A_269, %add3A_277 : vector<16xf32>
        %mul3A_279 = arith.mulf %mul3A_278, %mul3A_278 : vector<16xf32>
        %mul3A_280 = arith.mulf %mul3A_272, %mul3A_279 : vector<16xf32>
        %add3A_281 = arith.constant 1.500000e+00 : f32
        %add3A_282 = vector.broadcast %add3A_281 : f32 to vector<16xf32>
        %add3A_283 = arith.addf %mul3A_280, %add3A_282 : vector<16xf32>
        %mul3A_284 = arith.mulf %mul3A_278, %add3A_283 : vector<16xf32>
        %mul3A_285 = arith.mulf %mul3A_284, %mul3A_284 : vector<16xf32>
        %mul3A_286 = arith.mulf %mul3A_272, %mul3A_285 : vector<16xf32>
        %add3A_287 = arith.constant 1.500000e+00 : f32
        %add3A_288 = vector.broadcast %add3A_287 : f32 to vector<16xf32>
        %add3A_289 = arith.addf %mul3A_286, %add3A_288 : vector<16xf32>
        %mul3A_290 = arith.mulf %mul3A_284, %add3A_289 : vector<16xf32>
        %mul3A_291 = arith.mulf %add3A_262, %mul3A_290 : vector<16xf32>
        %mul3A_292 = arith.constant 16 : i32
        %mul3A_293 = arith.muli %scan3A_96, %mul3A_292 : i32
        %add3A_294 = arith.addi %min3A_63, %mul3A_293 : i32
        %get3A = arith.index_cast %add3A_294 : i32 to index
        %get3A_295 = tpu.vector_load %arg9[%get3A] {strides = array<i32>} : memref<10000xf32, #tpu.memory_space<vmem>>, vector<16xf32>,
        %mul3A_296 = arith.constant 16 : i32
        %mul3A_297 = arith.muli %scan3A_96, %mul3A_296 : i32
        %add3A_298 = arith.addi %min3A_63, %mul3A_297 : i32
        %mul3A_299 = arith.constant 512 : i32
        %mul3A_300 = arith.muli %mul3A_35, %mul3A_299 : i32
        %ge3A = arith.cmpi sge, %add3A_298, %mul3A_300 : i32
        %broadcast_in_dim3A_301 = vector.broadcast %ge3A : i1 to vector<16xi1>
        %mul3A_302 = arith.mulf %mul3A_291, %get3A_295 : vector<16xf32>
        %jit3A = arith.constant 0.000000e+00 : f32
        %broadcast_in_dim3A_303 = vector.broadcast %jit3A : f32 to vector<16xf32>
        %select_n3A = arith.select %broadcast_in_dim3A_301, %mul3A_302, %broadcast_in_dim3A_303 : vector<16xi1>, vector<16xf32>
        %add3A_304 = arith.addf %scan3A_97, %select_n3A : vector<16xf32>
        scf.yield %add3A_304 : vector<16xf32>
      }
      %scan3A_69 = arith.constant 32 : i32
      %add3A_70 = arith.constant 2 : i32
      %add3A_71 = arith.addi %mul3A_35, %add3A_70 : i32
      %lt3A = arith.constant 20 : i32
      %lt3A_72 = arith.cmpi slt, %add3A_71, %lt3A : i32
      %convert_element_type3A = arith.extui %lt3A_72 : i1 to i32
      %cond3A = arith.constant 0 : i32
      %cond3A_73 = arith.cmpi ne, %convert_element_type3A, %cond3A : i32
      scf.if %cond3A_73 {
        %add3A_96 = arith.constant 2 : i32
        %add3A_97 = arith.addi %mul3A_35, %add3A_96 : i32
        %mul3A_98 = arith.constant 512 : i32
        %mul3A_99 = arith.muli %add3A_97, %mul3A_98 : i32
        %min3A_100 = arith.constant 9488 : i32
        %min3A_101 = arith.minsi %mul3A_99, %min3A_100 : i32
        %dma_start3A_102 = tpu.memref_slice %arg7[%min3A_101] : memref<10000xi32, #tpu.memory_space<vmem>> -> memref<512xi32, #tpu.memory_space<vmem>>
        %dma_start3A_103 = arith.constant 0 : i32
        %dma_start3A_104 = arith.constant 0 : i32
        %dma_start3A_105 = tpu.memref_slice %arg2[%dma_start3A_103, %dma_start3A_104] : memref<10000x16xi32, #tpu.memory_space<hbm>> -> memref<10000x16xi32, #tpu.memory_space<hbm>>
        tpu.enqueue_indirect_dma source(%dma_start3A_105 : memref<10000x16xi32, #tpu.memory_space<hbm>>) target(%arg11 : memref<512x16xi32, #tpu.memory_space<vmem>>) offsets(%dma_start3A_102 : memref<512xi32, #tpu.memory_space<vmem>>) semaphore(%arg15 : memref<!tpu.dma_semaphore, #tpu.memory_space<semaphore_mem>>)
        %dma_start3A_106 = tpu.memref_slice %arg8[%min3A_101] : memref<10000xi32, #tpu.memory_space<vmem>> -> memref<512xi32, #tpu.memory_space<vmem>>
        %dma_start3A_107 = arith.constant 0 : i32
        %dma_start3A_108 = arith.constant 0 : i32
        %dma_start3A_109 = tpu.memref_slice %arg2[%dma_start3A_107, %dma_start3A_108] : memref<10000x16xi32, #tpu.memory_space<hbm>> -> memref<10000x16xi32, #tpu.memory_space<hbm>>
        tpu.enqueue_indirect_dma source(%dma_start3A_109 : memref<10000x16xi32, #tpu.memory_space<hbm>>) target(%arg12 : memref<512x16xi32, #tpu.memory_space<vmem>>) offsets(%dma_start3A_106 : memref<512xi32, #tpu.memory_space<vmem>>) semaphore(%arg15 : memref<!tpu.dma_semaphore, #tpu.memory_space<semaphore_mem>>)
      } else {
      }
      %dma_wait3A_74 = arith.constant 0 : i32
      %dma_wait3A_75 = tpu.memref_slice %arg7[%dma_wait3A_74] : memref<10000xi32, #tpu.memory_space<vmem>> -> memref<512xi32, #tpu.memory_space<vmem>>
      %dma_wait3A_76 = arith.constant 0 : i32
      %dma_wait3A_77 = arith.constant 0 : i32
      %dma_wait3A_78 = tpu.memref_slice %arg2[%dma_wait3A_76, %dma_wait3A_77] : memref<10000x16xi32, #tpu.memory_space<hbm>> -> memref<10000x16xi32, #tpu.memory_space<hbm>>
      tpu.wait_indirect_dma semaphore(%arg16 : memref<!tpu.dma_semaphore, #tpu.memory_space<semaphore_mem>>) src(%dma_wait3A_78 : memref<10000x16xi32, #tpu.memory_space<hbm>>) dst(%arg13 : memref<512x16xi32, #tpu.memory_space<vmem>>)
      %dma_wait3A_79 = arith.constant 0 : i32
      %dma_wait3A_80 = tpu.memref_slice %arg8[%dma_wait3A_79] : memref<10000xi32, #tpu.memory_space<vmem>> -> memref<512xi32, #tpu.memory_space<vmem>>
      %dma_wait3A_81 = arith.constant 0 : i32
      %dma_wait3A_82 = arith.constant 0 : i32
      %dma_wait3A_83 = tpu.memref_slice %arg2[%dma_wait3A_81, %dma_wait3A_82] : memref<10000x16xi32, #tpu.memory_space<hbm>> -> memref<10000x16xi32, #tpu.memory_space<hbm>>
      tpu.wait_indirect_dma semaphore(%arg16 : memref<!tpu.dma_semaphore, #tpu.memory_space<semaphore_mem>>) src(%dma_wait3A_83 : memref<10000x16xi32, #tpu.memory_space<hbm>>) dst(%arg14 : memref<512x16xi32, #tpu.memory_space<vmem>>)
      %add3A_84 = arith.constant 1 : i32
      %add3A_85 = arith.addi %mul3A_35, %add3A_84 : i32
      %mul3A_86 = arith.constant 512 : i32
      %mul3A_87 = arith.muli %add3A_85, %mul3A_86 : i32
      %min3A_88 = arith.constant 9488 : i32
      %min3A_89 = arith.minsi %mul3A_87, %min3A_88 : i32
      %scan3A_90 = arith.constant 0 : i32
      %scan3A_91 = arith.constant 32 : i32
      %scan3A_92 = arith.addi %scan3A_90, %scan3A_91 : i32
      %scan3A_93 = arith.constant 1 : i32
      %scan3A_94 = scf.for %scan3A_96 = %scan3A_90 to %scan3A_92 step %scan3A_93 iter_args(%scan3A_97 = %scan3A_68) -> (vector<16xf32>)  : i32 {
        %mul3A_98 = arith.constant 16 : i32
        %mul3A_99 = arith.muli %scan3A_96, %mul3A_98 : i32
        %add3A_100 = vector.broadcast %mul3A_99 : i32 to vector<16xi32>
        %add3A_101 = arith.addi %iota3A, %add3A_100 : vector<16xi32>
        %broadcast_in_dim3A_102 = arith.constant 0.000000e+00 : bf16
        %broadcast_in_dim3A_103 = vector.broadcast %broadcast_in_dim3A_102 : bf16 to vector<32xbf16>
        %broadcast_in_dim3A_104 = arith.constant 0.000000e+00 : bf16
        %broadcast_in_dim3A_105 = vector.broadcast %broadcast_in_dim3A_104 : bf16 to vector<32xbf16>
        %broadcast_in_dim3A_106 = arith.constant 0.000000e+00 : bf16
        %broadcast_in_dim3A_107 = vector.broadcast %broadcast_in_dim3A_106 : bf16 to vector<32xbf16>
        %broadcast_in_dim3A_108 = arith.constant 0.000000e+00 : bf16
        %broadcast_in_dim3A_109 = vector.broadcast %broadcast_in_dim3A_108 : bf16 to vector<32xbf16>
        %broadcast_in_dim3A_110 = arith.constant 0 : i32
        %broadcast_in_dim3A_111 = vector.broadcast %broadcast_in_dim3A_110 : i32 to vector<16xi32>
        %gather3A = tpu.vector_load_idx %arg13[%add3A_101, %broadcast_in_dim3A_111] : memref<512x16xi32, #tpu.memory_space<vmem>>[vector<16xi32>, vector<16xi32>], vector<16xi32>,
        %gather3A_112 = tpu.vector_load_idx %arg14[%add3A_101, %broadcast_in_dim3A_111] : memref<512x16xi32, #tpu.memory_space<vmem>>[vector<16xi32>, vector<16xi32>], vector<16xi32>,
        %bitcast3A = vector.bitcast %gather3A : vector<16xi32> to vector<32xbf16>
        %bitcast3A_113 = vector.bitcast %gather3A_112 : vector<16xi32> to vector<32xbf16>
        %sub3A = arith.subf %bitcast3A, %bitcast3A_113 : vector<32xbf16>
        %mul3A_114 = arith.mulf %sub3A, %sub3A : vector<32xbf16>
        %add3A_115 = arith.addf %broadcast_in_dim3A_103, %mul3A_114 : vector<32xbf16>
        %broadcast_in_dim3A_116 = arith.constant 1 : i32
        %broadcast_in_dim3A_117 = vector.broadcast %broadcast_in_dim3A_116 : i32 to vector<16xi32>
        %gather3A_118 = tpu.vector_load_idx %arg13[%add3A_101, %broadcast_in_dim3A_117] : memref<512x16xi32, #tpu.memory_space<vmem>>[vector<16xi32>, vector<16xi32>], vector<16xi32>,
        %gather3A_119 = tpu.vector_load_idx %arg14[%add3A_101, %broadcast_in_dim3A_117] : memref<512x16xi32, #tpu.memory_space<vmem>>[vector<16xi32>, vector<16xi32>], vector<16xi32>,
        %bitcast3A_120 = vector.bitcast %gather3A_118 : vector<16xi32> to vector<32xbf16>
        %bitcast3A_121 = vector.bitcast %gather3A_119 : vector<16xi32> to vector<32xbf16>
        %sub3A_122 = arith.subf %bitcast3A_120, %bitcast3A_121 : vector<32xbf16>
        %mul3A_123 = arith.mulf %sub3A_122, %sub3A_122 : vector<32xbf16>
        %add3A_124 = arith.addf %broadcast_in_dim3A_105, %mul3A_123 : vector<32xbf16>
        %broadcast_in_dim3A_125 = arith.constant 2 : i32
        %broadcast_in_dim3A_126 = vector.broadcast %broadcast_in_dim3A_125 : i32 to vector<16xi32>
        %gather3A_127 = tpu.vector_load_idx %arg13[%add3A_101, %broadcast_in_dim3A_126] : memref<512x16xi32, #tpu.memory_space<vmem>>[vector<16xi32>, vector<16xi32>], vector<16xi32>,
        %gather3A_128 = tpu.vector_load_idx %arg14[%add3A_101, %broadcast_in_dim3A_126] : memref<512x16xi32, #tpu.memory_space<vmem>>[vector<16xi32>, vector<16xi32>], vector<16xi32>,
        %bitcast3A_129 = vector.bitcast %gather3A_127 : vector<16xi32> to vector<32xbf16>
        %bitcast3A_130 = vector.bitcast %gather3A_128 : vector<16xi32> to vector<32xbf16>
        %sub3A_131 = arith.subf %bitcast3A_129, %bitcast3A_130 : vector<32xbf16>
        %mul3A_132 = arith.mulf %sub3A_131, %sub3A_131 : vector<32xbf16>
        %add3A_133 = arith.addf %broadcast_in_dim3A_107, %mul3A_132 : vector<32xbf16>
        %broadcast_in_dim3A_134 = arith.constant 3 : i32
        %broadcast_in_dim3A_135 = vector.broadcast %broadcast_in_dim3A_134 : i32 to vector<16xi32>
        %gather3A_136 = tpu.vector_load_idx %arg13[%add3A_101, %broadcast_in_dim3A_135] : memref<512x16xi32, #tpu.memory_space<vmem>>[vector<16xi32>, vector<16xi32>], vector<16xi32>,
        %gather3A_137 = tpu.vector_load_idx %arg14[%add3A_101, %broadcast_in_dim3A_135] : memref<512x16xi32, #tpu.memory_space<vmem>>[vector<16xi32>, vector<16xi32>], vector<16xi32>,
        %bitcast3A_138 = vector.bitcast %gather3A_136 : vector<16xi32> to vector<32xbf16>
        %bitcast3A_139 = vector.bitcast %gather3A_137 : vector<16xi32> to vector<32xbf16>
        %sub3A_140 = arith.subf %bitcast3A_138, %bitcast3A_139 : vector<32xbf16>
        %mul3A_141 = arith.mulf %sub3A_140, %sub3A_140 : vector<32xbf16>
        %add3A_142 = arith.addf %broadcast_in_dim3A_109, %mul3A_141 : vector<32xbf16>
        %broadcast_in_dim3A_143 = arith.constant 4 : i32
        %broadcast_in_dim3A_144 = vector.broadcast %broadcast_in_dim3A_143 : i32 to vector<16xi32>
        %gather3A_145 = tpu.vector_load_idx %arg13[%add3A_101, %broadcast_in_dim3A_144] : memref<512x16xi32, #tpu.memory_space<vmem>>[vector<16xi32>, vector<16xi32>], vector<16xi32>,
        %gather3A_146 = tpu.vector_load_idx %arg14[%add3A_101, %broadcast_in_dim3A_144] : memref<512x16xi32, #tpu.memory_space<vmem>>[vector<16xi32>, vector<16xi32>], vector<16xi32>,
        %bitcast3A_147 = vector.bitcast %gather3A_145 : vector<16xi32> to vector<32xbf16>
        %bitcast3A_148 = vector.bitcast %gather3A_146 : vector<16xi32> to vector<32xbf16>
        %sub3A_149 = arith.subf %bitcast3A_147, %bitcast3A_148 : vector<32xbf16>
        %mul3A_150 = arith.mulf %sub3A_149, %sub3A_149 : vector<32xbf16>
        %add3A_151 = arith.addf %add3A_115, %mul3A_150 : vector<32xbf16>
        %broadcast_in_dim3A_152 = arith.constant 5 : i32
        %broadcast_in_dim3A_153 = vector.broadcast %broadcast_in_dim3A_152 : i32 to vector<16xi32>
        %gather3A_154 = tpu.vector_load_idx %arg13[%add3A_101, %broadcast_in_dim3A_153] : memref<512x16xi32, #tpu.memory_space<vmem>>[vector<16xi32>, vector<16xi32>], vector<16xi32>,
        %gather3A_155 = tpu.vector_load_idx %arg14[%add3A_101, %broadcast_in_dim3A_153] : memref<512x16xi32, #tpu.memory_space<vmem>>[vector<16xi32>, vector<16xi32>], vector<16xi32>,
        %bitcast3A_156 = vector.bitcast %gather3A_154 : vector<16xi32> to vector<32xbf16>
        %bitcast3A_157 = vector.bitcast %gather3A_155 : vector<16xi32> to vector<32xbf16>
        %sub3A_158 = arith.subf %bitcast3A_156, %bitcast3A_157 : vector<32xbf16>
        %mul3A_159 = arith.mulf %sub3A_158, %sub3A_158 : vector<32xbf16>
        %add3A_160 = arith.addf %add3A_124, %mul3A_159 : vector<32xbf16>
        %broadcast_in_dim3A_161 = arith.constant 6 : i32
        %broadcast_in_dim3A_162 = vector.broadcast %broadcast_in_dim3A_161 : i32 to vector<16xi32>
        %gather3A_163 = tpu.vector_load_idx %arg13[%add3A_101, %broadcast_in_dim3A_162] : memref<512x16xi32, #tpu.memory_space<vmem>>[vector<16xi32>, vector<16xi32>], vector<16xi32>,
        %gather3A_164 = tpu.vector_load_idx %arg14[%add3A_101, %broadcast_in_dim3A_162] : memref<512x16xi32, #tpu.memory_space<vmem>>[vector<16xi32>, vector<16xi32>], vector<16xi32>,
        %bitcast3A_165 = vector.bitcast %gather3A_163 : vector<16xi32> to vector<32xbf16>
        %bitcast3A_166 = vector.bitcast %gather3A_164 : vector<16xi32> to vector<32xbf16>
        %sub3A_167 = arith.subf %bitcast3A_165, %bitcast3A_166 : vector<32xbf16>
        %mul3A_168 = arith.mulf %sub3A_167, %sub3A_167 : vector<32xbf16>
        %add3A_169 = arith.addf %add3A_133, %mul3A_168 : vector<32xbf16>
        %broadcast_in_dim3A_170 = arith.constant 7 : i32
        %broadcast_in_dim3A_171 = vector.broadcast %broadcast_in_dim3A_170 : i32 to vector<16xi32>
        %gather3A_172 = tpu.vector_load_idx %arg13[%add3A_101, %broadcast_in_dim3A_171] : memref<512x16xi32, #tpu.memory_space<vmem>>[vector<16xi32>, vector<16xi32>], vector<16xi32>,
        %gather3A_173 = tpu.vector_load_idx %arg14[%add3A_101, %broadcast_in_dim3A_171] : memref<512x16xi32, #tpu.memory_space<vmem>>[vector<16xi32>, vector<16xi32>], vector<16xi32>,
        %bitcast3A_174 = vector.bitcast %gather3A_172 : vector<16xi32> to vector<32xbf16>
        %bitcast3A_175 = vector.bitcast %gather3A_173 : vector<16xi32> to vector<32xbf16>
        %sub3A_176 = arith.subf %bitcast3A_174, %bitcast3A_175 : vector<32xbf16>
        %mul3A_177 = arith.mulf %sub3A_176, %sub3A_176 : vector<32xbf16>
        %add3A_178 = arith.addf %add3A_142, %mul3A_177 : vector<32xbf16>
        %broadcast_in_dim3A_179 = arith.constant 8 : i32
        %broadcast_in_dim3A_180 = vector.broadcast %broadcast_in_dim3A_179 : i32 to vector<16xi32>
        %gather3A_181 = tpu.vector_load_idx %arg13[%add3A_101, %broadcast_in_dim3A_180] : memref<512x16xi32, #tpu.memory_space<vmem>>[vector<16xi32>, vector<16xi32>], vector<16xi32>,
        %gather3A_182 = tpu.vector_load_idx %arg14[%add3A_101, %broadcast_in_dim3A_180] : memref<512x16xi32, #tpu.memory_space<vmem>>[vector<16xi32>, vector<16xi32>], vector<16xi32>,
        %bitcast3A_183 = vector.bitcast %gather3A_181 : vector<16xi32> to vector<32xbf16>
        %bitcast3A_184 = vector.bitcast %gather3A_182 : vector<16xi32> to vector<32xbf16>
        %sub3A_185 = arith.subf %bitcast3A_183, %bitcast3A_184 : vector<32xbf16>
        %mul3A_186 = arith.mulf %sub3A_185, %sub3A_185 : vector<32xbf16>
        %add3A_187 = arith.addf %add3A_151, %mul3A_186 : vector<32xbf16>
        %broadcast_in_dim3A_188 = arith.constant 9 : i32
        %broadcast_in_dim3A_189 = vector.broadcast %broadcast_in_dim3A_188 : i32 to vector<16xi32>
        %gather3A_190 = tpu.vector_load_idx %arg13[%add3A_101, %broadcast_in_dim3A_189] : memref<512x16xi32, #tpu.memory_space<vmem>>[vector<16xi32>, vector<16xi32>], vector<16xi32>,
        %gather3A_191 = tpu.vector_load_idx %arg14[%add3A_101, %broadcast_in_dim3A_189] : memref<512x16xi32, #tpu.memory_space<vmem>>[vector<16xi32>, vector<16xi32>], vector<16xi32>,
        %bitcast3A_192 = vector.bitcast %gather3A_190 : vector<16xi32> to vector<32xbf16>
        %bitcast3A_193 = vector.bitcast %gather3A_191 : vector<16xi32> to vector<32xbf16>
        %sub3A_194 = arith.subf %bitcast3A_192, %bitcast3A_193 : vector<32xbf16>
        %mul3A_195 = arith.mulf %sub3A_194, %sub3A_194 : vector<32xbf16>
        %add3A_196 = arith.addf %add3A_160, %mul3A_195 : vector<32xbf16>
        %broadcast_in_dim3A_197 = arith.constant 10 : i32
        %broadcast_in_dim3A_198 = vector.broadcast %broadcast_in_dim3A_197 : i32 to vector<16xi32>
        %gather3A_199 = tpu.vector_load_idx %arg13[%add3A_101, %broadcast_in_dim3A_198] : memref<512x16xi32, #tpu.memory_space<vmem>>[vector<16xi32>, vector<16xi32>], vector<16xi32>,
        %gather3A_200 = tpu.vector_load_idx %arg14[%add3A_101, %broadcast_in_dim3A_198] : memref<512x16xi32, #tpu.memory_space<vmem>>[vector<16xi32>, vector<16xi32>], vector<16xi32>,
        %bitcast3A_201 = vector.bitcast %gather3A_199 : vector<16xi32> to vector<32xbf16>
        %bitcast3A_202 = vector.bitcast %gather3A_200 : vector<16xi32> to vector<32xbf16>
        %sub3A_203 = arith.subf %bitcast3A_201, %bitcast3A_202 : vector<32xbf16>
        %mul3A_204 = arith.mulf %sub3A_203, %sub3A_203 : vector<32xbf16>
        %add3A_205 = arith.addf %add3A_169, %mul3A_204 : vector<32xbf16>
        %broadcast_in_dim3A_206 = arith.constant 11 : i32
        %broadcast_in_dim3A_207 = vector.broadcast %broadcast_in_dim3A_206 : i32 to vector<16xi32>
        %gather3A_208 = tpu.vector_load_idx %arg13[%add3A_101, %broadcast_in_dim3A_207] : memref<512x16xi32, #tpu.memory_space<vmem>>[vector<16xi32>, vector<16xi32>], vector<16xi32>,
        %gather3A_209 = tpu.vector_load_idx %arg14[%add3A_101, %broadcast_in_dim3A_207] : memref<512x16xi32, #tpu.memory_space<vmem>>[vector<16xi32>, vector<16xi32>], vector<16xi32>,
        %bitcast3A_210 = vector.bitcast %gather3A_208 : vector<16xi32> to vector<32xbf16>
        %bitcast3A_211 = vector.bitcast %gather3A_209 : vector<16xi32> to vector<32xbf16>
        %sub3A_212 = arith.subf %bitcast3A_210, %bitcast3A_211 : vector<32xbf16>
        %mul3A_213 = arith.mulf %sub3A_212, %sub3A_212 : vector<32xbf16>
        %add3A_214 = arith.addf %add3A_178, %mul3A_213 : vector<32xbf16>
        %broadcast_in_dim3A_215 = arith.constant 12 : i32
        %broadcast_in_dim3A_216 = vector.broadcast %broadcast_in_dim3A_215 : i32 to vector<16xi32>
        %gather3A_217 = tpu.vector_load_idx %arg13[%add3A_101, %broadcast_in_dim3A_216] : memref<512x16xi32, #tpu.memory_space<vmem>>[vector<16xi32>, vector<16xi32>], vector<16xi32>,
        %gather3A_218 = tpu.vector_load_idx %arg14[%add3A_101, %broadcast_in_dim3A_216] : memref<512x16xi32, #tpu.memory_space<vmem>>[vector<16xi32>, vector<16xi32>], vector<16xi32>,
        %bitcast3A_219 = vector.bitcast %gather3A_217 : vector<16xi32> to vector<32xbf16>
        %bitcast3A_220 = vector.bitcast %gather3A_218 : vector<16xi32> to vector<32xbf16>
        %sub3A_221 = arith.subf %bitcast3A_219, %bitcast3A_220 : vector<32xbf16>
        %mul3A_222 = arith.mulf %sub3A_221, %sub3A_221 : vector<32xbf16>
        %add3A_223 = arith.addf %add3A_187, %mul3A_222 : vector<32xbf16>
        %broadcast_in_dim3A_224 = arith.constant 13 : i32
        %broadcast_in_dim3A_225 = vector.broadcast %broadcast_in_dim3A_224 : i32 to vector<16xi32>
        %gather3A_226 = tpu.vector_load_idx %arg13[%add3A_101, %broadcast_in_dim3A_225] : memref<512x16xi32, #tpu.memory_space<vmem>>[vector<16xi32>, vector<16xi32>], vector<16xi32>,
        %gather3A_227 = tpu.vector_load_idx %arg14[%add3A_101, %broadcast_in_dim3A_225] : memref<512x16xi32, #tpu.memory_space<vmem>>[vector<16xi32>, vector<16xi32>], vector<16xi32>,
        %bitcast3A_228 = vector.bitcast %gather3A_226 : vector<16xi32> to vector<32xbf16>
        %bitcast3A_229 = vector.bitcast %gather3A_227 : vector<16xi32> to vector<32xbf16>
        %sub3A_230 = arith.subf %bitcast3A_228, %bitcast3A_229 : vector<32xbf16>
        %mul3A_231 = arith.mulf %sub3A_230, %sub3A_230 : vector<32xbf16>
        %add3A_232 = arith.addf %add3A_196, %mul3A_231 : vector<32xbf16>
        %broadcast_in_dim3A_233 = arith.constant 14 : i32
        %broadcast_in_dim3A_234 = vector.broadcast %broadcast_in_dim3A_233 : i32 to vector<16xi32>
        %gather3A_235 = tpu.vector_load_idx %arg13[%add3A_101, %broadcast_in_dim3A_234] : memref<512x16xi32, #tpu.memory_space<vmem>>[vector<16xi32>, vector<16xi32>], vector<16xi32>,
        %gather3A_236 = tpu.vector_load_idx %arg14[%add3A_101, %broadcast_in_dim3A_234] : memref<512x16xi32, #tpu.memory_space<vmem>>[vector<16xi32>, vector<16xi32>], vector<16xi32>,
        %bitcast3A_237 = vector.bitcast %gather3A_235 : vector<16xi32> to vector<32xbf16>
        %bitcast3A_238 = vector.bitcast %gather3A_236 : vector<16xi32> to vector<32xbf16>
        %sub3A_239 = arith.subf %bitcast3A_237, %bitcast3A_238 : vector<32xbf16>
        %mul3A_240 = arith.mulf %sub3A_239, %sub3A_239 : vector<32xbf16>
        %add3A_241 = arith.addf %add3A_205, %mul3A_240 : vector<32xbf16>
        %broadcast_in_dim3A_242 = arith.constant 15 : i32
        %broadcast_in_dim3A_243 = vector.broadcast %broadcast_in_dim3A_242 : i32 to vector<16xi32>
        %gather3A_244 = tpu.vector_load_idx %arg13[%add3A_101, %broadcast_in_dim3A_243] : memref<512x16xi32, #tpu.memory_space<vmem>>[vector<16xi32>, vector<16xi32>], vector<16xi32>,
        %gather3A_245 = tpu.vector_load_idx %arg14[%add3A_101, %broadcast_in_dim3A_243] : memref<512x16xi32, #tpu.memory_space<vmem>>[vector<16xi32>, vector<16xi32>], vector<16xi32>,
        %bitcast3A_246 = vector.bitcast %gather3A_244 : vector<16xi32> to vector<32xbf16>
        %bitcast3A_247 = vector.bitcast %gather3A_245 : vector<16xi32> to vector<32xbf16>
        %sub3A_248 = arith.subf %bitcast3A_246, %bitcast3A_247 : vector<32xbf16>
        %mul3A_249 = arith.mulf %sub3A_248, %sub3A_248 : vector<32xbf16>
        %add3A_250 = arith.addf %add3A_214, %mul3A_249 : vector<32xbf16>
        %add3A_251 = arith.addf %add3A_223, %add3A_232 : vector<32xbf16>
        %add3A_252 = arith.addf %add3A_241, %add3A_250 : vector<32xbf16>
        %add3A_253 = arith.addf %add3A_251, %add3A_252 : vector<32xbf16>
        %bitcast3A_254 = vector.bitcast %add3A_253 : vector<32xbf16> to vector<16xi32>
        %shift_left3A = arith.constant 16 : i32
        %shift_left3A_255 = vector.broadcast %shift_left3A : i32 to vector<16xi32>
        %shift_left3A_256 = arith.shli %bitcast3A_254, %shift_left3A_255 : vector<16xi32>
        %bitcast3A_257 = vector.bitcast %shift_left3A_256 : vector<16xi32> to vector<16xf32>
        %bitcast3A_258 = vector.bitcast %bitcast3A_254 : vector<16xi32> to vector<16xf32>
        %add3A_259 = arith.addf %bitcast3A_257, %bitcast3A_258 : vector<16xf32>
        %add3A_260 = arith.constant 9.99999996E-13 : f32
        %add3A_261 = vector.broadcast %add3A_260 : f32 to vector<16xf32>
        %add3A_262 = arith.addf %add3A_259, %add3A_261 : vector<16xf32>
        %bitcast3A_263 = vector.bitcast %add3A_262 : vector<16xf32> to vector<16xi32>
        %shift_right_arithmetic3A = arith.constant 1 : i32
        %shift_right_arithmetic3A_264 = vector.broadcast %shift_right_arithmetic3A : i32 to vector<16xi32>
        %shift_right_arithmetic3A_265 = arith.shrsi %bitcast3A_263, %shift_right_arithmetic3A_264 : vector<16xi32>
        %sub3A_266 = arith.constant 1597463007 : i32
        %sub3A_267 = vector.broadcast %sub3A_266 : i32 to vector<16xi32>
        %sub3A_268 = arith.subi %sub3A_267, %shift_right_arithmetic3A_265 : vector<16xi32>
        %bitcast3A_269 = vector.bitcast %sub3A_268 : vector<16xi32> to vector<16xf32>
        %mul3A_270 = arith.constant -5.000000e-01 : f32
        %mul3A_271 = vector.broadcast %mul3A_270 : f32 to vector<16xf32>
        %mul3A_272 = arith.mulf %add3A_262, %mul3A_271 : vector<16xf32>
        %mul3A_273 = arith.mulf %bitcast3A_269, %bitcast3A_269 : vector<16xf32>
        %mul3A_274 = arith.mulf %mul3A_272, %mul3A_273 : vector<16xf32>
        %add3A_275 = arith.constant 1.500000e+00 : f32
        %add3A_276 = vector.broadcast %add3A_275 : f32 to vector<16xf32>
        %add3A_277 = arith.addf %mul3A_274, %add3A_276 : vector<16xf32>
        %mul3A_278 = arith.mulf %bitcast3A_269, %add3A_277 : vector<16xf32>
        %mul3A_279 = arith.mulf %mul3A_278, %mul3A_278 : vector<16xf32>
        %mul3A_280 = arith.mulf %mul3A_272, %mul3A_279 : vector<16xf32>
        %add3A_281 = arith.constant 1.500000e+00 : f32
        %add3A_282 = vector.broadcast %add3A_281 : f32 to vector<16xf32>
        %add3A_283 = arith.addf %mul3A_280, %add3A_282 : vector<16xf32>
        %mul3A_284 = arith.mulf %mul3A_278, %add3A_283 : vector<16xf32>
        %mul3A_285 = arith.mulf %mul3A_284, %mul3A_284 : vector<16xf32>
        %mul3A_286 = arith.mulf %mul3A_272, %mul3A_285 : vector<16xf32>
        %add3A_287 = arith.constant 1.500000e+00 : f32
        %add3A_288 = vector.broadcast %add3A_287 : f32 to vector<16xf32>
        %add3A_289 = arith.addf %mul3A_286, %add3A_288 : vector<16xf32>
        %mul3A_290 = arith.mulf %mul3A_284, %add3A_289 : vector<16xf32>
        %mul3A_291 = arith.mulf %add3A_262, %mul3A_290 : vector<16xf32>
        %mul3A_292 = arith.constant 16 : i32
        %mul3A_293 = arith.muli %scan3A_96, %mul3A_292 : i32
        %add3A_294 = arith.addi %min3A_89, %mul3A_293 : i32
        %get3A = arith.index_cast %add3A_294 : i32 to index
        %get3A_295 = tpu.vector_load %arg9[%get3A] {strides = array<i32>} : memref<10000xf32, #tpu.memory_space<vmem>>, vector<16xf32>,
        %mul3A_296 = arith.constant 16 : i32
        %mul3A_297 = arith.muli %scan3A_96, %mul3A_296 : i32
        %add3A_298 = arith.addi %min3A_89, %mul3A_297 : i32
        %mul3A_299 = arith.constant 512 : i32
        %mul3A_300 = arith.muli %add3A_85, %mul3A_299 : i32
        %ge3A = arith.cmpi sge, %add3A_298, %mul3A_300 : i32
        %broadcast_in_dim3A_301 = vector.broadcast %ge3A : i1 to vector<16xi1>
        %mul3A_302 = arith.mulf %mul3A_291, %get3A_295 : vector<16xf32>
        %jit3A = arith.constant 0.000000e+00 : f32
        %broadcast_in_dim3A_303 = vector.broadcast %jit3A : f32 to vector<16xf32>
        %select_n3A = arith.select %broadcast_in_dim3A_301, %mul3A_302, %broadcast_in_dim3A_303 : vector<16xi1>, vector<16xf32>
        %add3A_304 = arith.addf %scan3A_97, %select_n3A : vector<16xf32>
        scf.yield %add3A_304 : vector<16xf32>
      }
      %scan3A_95 = arith.constant 32 : i32
      scf.yield %scan3A_94 : vector<16xf32>
    }
    %scan3A_30 = arith.constant 10 : i32
    %swap3A = arith.constant 0 : index
    %swap3A_31 = tpu.vector_load %arg10[%swap3A] {strides = array<i32>} : memref<16xf32, #tpu.memory_space<vmem>>, vector<16xf32>,
    tpu.vector_store %arg10[%swap3A], %scan3A_29 {strides = array<i32>} : memref<16xf32, #tpu.memory_space<vmem>>, vector<16xf32>,
    "tpu.region"() ({
      %run_scoped3A = tpu.sem_alloc : memref<!tpu.dma_semaphore, #tpu.memory_space<semaphore_mem>>
      %dma_start3A_32 = arith.constant 0 : i32
      %dma_start3A_33 = tpu.memref_slice %arg6[%add3A, %dma_start3A_32] : memref<32x16xf32, #tpu.memory_space<hbm>> -> memref<1x16xf32, #tpu.memory_space<hbm>>
      %dma_start3A_34 = tpu.memref_squeeze %dma_start3A_33 : memref<1x16xf32, #tpu.memory_space<hbm>> -> memref<16xf32, #tpu.memory_space<hbm>>
      %dma_start3A_35 = arith.constant 0 : i32
      %dma_start3A_36 = tpu.memref_slice %arg6[%add3A, %dma_start3A_35] : memref<32x16xf32, #tpu.memory_space<hbm>> -> memref<1x16xf32, #tpu.memory_space<hbm>>
      %dma_start3A_37 = tpu.memref_squeeze %dma_start3A_36 : memref<1x16xf32, #tpu.memory_space<hbm>> -> memref<16xf32, #tpu.memory_space<hbm>>
      tpu.enqueue_dma source(%arg10 : memref<16xf32, #tpu.memory_space<vmem>>) target(%dma_start3A_37 : memref<16xf32, #tpu.memory_space<hbm>>) target_semaphore(%run_scoped3A : memref<!tpu.dma_semaphore, #tpu.memory_space<semaphore_mem>>)
      %dma_wait3A_38 = arith.constant 0 : i32
      %dma_wait3A_39 = tpu.memref_slice %arg6[%add3A, %dma_wait3A_38] : memref<32x16xf32, #tpu.memory_space<hbm>> -> memref<1x16xf32, #tpu.memory_space<hbm>>
      %dma_wait3A_40 = tpu.memref_squeeze %dma_wait3A_39 : memref<1x16xf32, #tpu.memory_space<hbm>> -> memref<16xf32, #tpu.memory_space<hbm>>
      %dma_wait3A_41 = arith.constant 0 : i32
      %dma_wait3A_42 = tpu.memref_slice %arg6[%add3A, %dma_wait3A_41] : memref<32x16xf32, #tpu.memory_space<hbm>> -> memref<1x16xf32, #tpu.memory_space<hbm>>
      %dma_wait3A_43 = tpu.memref_squeeze %dma_wait3A_42 : memref<1x16xf32, #tpu.memory_space<hbm>> -> memref<16xf32, #tpu.memory_space<hbm>>
      tpu.wait_dma2 semaphore(%run_scoped3A : memref<!tpu.dma_semaphore, #tpu.memory_space<semaphore_mem>>) src(%arg10 : memref<16xf32, #tpu.memory_space<vmem>>) dst(%dma_wait3A_43 : memref<16xf32, #tpu.memory_space<hbm>>)
      tpu.yield
    }) : () -> ()
    return
  }
}

module attributes {stable_mosaic.version = 14 : i64} {
  func.func @_encode_body(%arg0: memref<10000x128xf32, #tpu.memory_space<vmem>>, %arg1: memref<128x32xf32, #tpu.memory_space<vmem>>, %arg2: memref<1x32xf32, #tpu.memory_space<vmem>>, %arg3: memref<32x128xf32, #tpu.memory_space<vmem>>, %arg4: memref<1x128xf32, #tpu.memory_space<vmem>>, %arg5: memref<10000x16xi32, #tpu.memory_space<vmem>>, %arg6: memref<1x1xf32, #tpu.memory_space<smem>>) attributes {dimension_semantics = [], scalar_prefetch = 0 : i64, scratch_operands = 0 : i64, tpu.core_type = #tpu.core_type<tc>} {
    %get3A = arith.constant 0 : index
    %get3A_0 = arith.constant 0 : index
    %get3A_1 = vector.load %arg0[%get3A, %get3A_0] : memref<10000x128xf32, #tpu.memory_space<vmem>>, vector<10000x128xf32>
    %get3A_2 = arith.constant 0 : index
    %get3A_3 = arith.constant 0 : index
    %get3A_4 = vector.load %arg1[%get3A_2, %get3A_3] : memref<128x32xf32, #tpu.memory_space<vmem>>, vector<128x32xf32>
    %dot_general3A = arith.constant dense<0.000000e+00> : vector<10000x32xf32>
    %dot_general3A_5 = tpu.matmul %get3A_1, %get3A_4, %dot_general3A {dimension_numbers = #tpu.dot_dimension_numbers<[1], [0], [0], [1], [0, 0, 1, 1], [], []>, transpose_lhs_hint = false} : vector<10000x128xf32>, vector<128x32xf32>, vector<10000x32xf32> -> vector<10000x32xf32>
    %get3A_6 = arith.constant 0 : index
    %get3A_7 = arith.constant 0 : index
    %get3A_8 = vector.load %arg2[%get3A_6, %get3A_7] : memref<1x32xf32, #tpu.memory_space<vmem>>, vector<1x32xf32>
    %add3A = vector.broadcast %get3A_8 : vector<1x32xf32> to vector<10000x32xf32>
    %add3A_9 = arith.addf %dot_general3A_5, %add3A : vector<10000x32xf32>
    %get3A_10 = arith.constant 0 : index
    %get3A_11 = arith.constant 0 : index
    %get3A_12 = vector.load %arg3[%get3A_10, %get3A_11] : memref<32x128xf32, #tpu.memory_space<vmem>>, vector<32x128xf32>
    %dot_general3A_13 = arith.constant dense<0.000000e+00> : vector<10000x128xf32>
    %dot_general3A_14 = tpu.matmul %add3A_9, %get3A_12, %dot_general3A_13 {dimension_numbers = #tpu.dot_dimension_numbers<[1], [0], [0], [1], [0, 0, 1, 1], [], []>, transpose_lhs_hint = false} : vector<10000x32xf32>, vector<32x128xf32>, vector<10000x128xf32> -> vector<10000x128xf32>
    %get3A_15 = arith.constant 0 : index
    %get3A_16 = arith.constant 0 : index
    %get3A_17 = vector.load %arg4[%get3A_15, %get3A_16] : memref<1x128xf32, #tpu.memory_space<vmem>>, vector<1x128xf32>
    %add3A_18 = vector.broadcast %get3A_17 : vector<1x128xf32> to vector<10000x128xf32>
    %add3A_19 = arith.addf %dot_general3A_14, %add3A_18 : vector<10000x128xf32>
    %sub3A = arith.subf %get3A_1, %add3A_19 : vector<10000x128xf32>
    %mul3A = arith.mulf %sub3A, %sub3A : vector<10000x128xf32>
    %reduce_sum3A = vector.shape_cast %mul3A : vector<10000x128xf32> to vector<1x10000x128xf32>
    %reduce_sum3A_20 = arith.constant dense<0.000000e+00> : vector<1xf32>
    %reduce_sum3A_21 = vector.multi_reduction <add>, %reduce_sum3A, %reduce_sum3A_20 [1, 2] : vector<1x10000x128xf32> to vector<1xf32>
    %reduce_sum3A_22 = vector.shape_cast %reduce_sum3A_21 : vector<1xf32> to vector<1x1x1xf32>
    %reduce_sum3A_23 = vector.extract %reduce_sum3A_22[0, 0, 0] : f32 from vector<1x1x1xf32>
    %swap3A = arith.constant 0 : index
    %swap3A_24 = arith.constant 0 : index
    %swap3A_25 = memref.load %arg6[%swap3A, %swap3A_24] : memref<1x1xf32, #tpu.memory_space<smem>>
    memref.store %reduce_sum3A_23, %arg6[%swap3A, %swap3A_24] : memref<1x1xf32, #tpu.memory_space<smem>>
    %iota3A = tpu.iota {dimensions = array<i32: 0>} : vector<32x16xi32>
    %iota3A_26 = tpu.iota {dimensions = array<i32: 1>} : vector<32x16xi32>
    %mul3A_27 = arith.constant 2 : i32
    %mul3A_28 = vector.broadcast %mul3A_27 : i32 to vector<32x16xi32>
    %mul3A_29 = arith.muli %mul3A_28, %iota3A_26 : vector<32x16xi32>
    %eq3A = arith.cmpi eq, %iota3A, %mul3A_29 : vector<32x16xi32>
    %convert_element_type3A = arith.extui %eq3A : vector<32x16xi1> to vector<32x16xi32>
    %convert_element_type3A_30 = arith.sitofp %convert_element_type3A : vector<32x16xi32> to vector<32x16xf32>
    %mul3A_31 = arith.constant 2 : i32
    %mul3A_32 = vector.broadcast %mul3A_31 : i32 to vector<32x16xi32>
    %mul3A_33 = arith.muli %mul3A_32, %iota3A_26 : vector<32x16xi32>
    %add3A_34 = arith.constant 1 : i32
    %add3A_35 = vector.broadcast %add3A_34 : i32 to vector<32x16xi32>
    %add3A_36 = arith.addi %mul3A_33, %add3A_35 : vector<32x16xi32>
    %eq3A_37 = arith.cmpi eq, %iota3A, %add3A_36 : vector<32x16xi32>
    %convert_element_type3A_38 = arith.extui %eq3A_37 : vector<32x16xi1> to vector<32x16xi32>
    %convert_element_type3A_39 = arith.sitofp %convert_element_type3A_38 : vector<32x16xi32> to vector<32x16xf32>
    %dot_general3A_40 = arith.constant dense<0.000000e+00> : vector<10000x16xf32>
    %dot_general3A_41 = tpu.matmul %add3A_9, %convert_element_type3A_30, %dot_general3A_40 {dimension_numbers = #tpu.dot_dimension_numbers<[1], [0], [0], [1], [0, 0, 1, 1], [], []>, transpose_lhs_hint = false} : vector<10000x32xf32>, vector<32x16xf32>, vector<10000x16xf32> -> vector<10000x16xf32>
    %dot_general3A_42 = arith.constant dense<0.000000e+00> : vector<10000x16xf32>
    %dot_general3A_43 = tpu.matmul %add3A_9, %convert_element_type3A_39, %dot_general3A_42 {dimension_numbers = #tpu.dot_dimension_numbers<[1], [0], [0], [1], [0, 0, 1, 1], [], []>, transpose_lhs_hint = false} : vector<10000x32xf32>, vector<32x16xf32>, vector<10000x16xf32> -> vector<10000x16xf32>
    %convert_element_type3A_44 = arith.truncf %dot_general3A_41 : vector<10000x16xf32> to vector<10000x16xbf16>
    %bitcast_convert_type3A = tpu.bitcast %convert_element_type3A_44 : vector<10000x16xbf16> -> vector<10000x16xi16>
    %convert_element_type3A_45 = arith.truncf %dot_general3A_43 : vector<10000x16xf32> to vector<10000x16xbf16>
    %bitcast_convert_type3A_46 = tpu.bitcast %convert_element_type3A_45 : vector<10000x16xbf16> -> vector<10000x16xi16>
    %convert_element_type3A_47 = arith.extui %bitcast_convert_type3A_46 : vector<10000x16xi16> to vector<10000x16xi32>
    %shift_left3A = arith.constant 16 : i32
    %shift_left3A_48 = vector.broadcast %shift_left3A : i32 to vector<10000x16xi32>
    %shift_left3A_49 = arith.shli %convert_element_type3A_47, %shift_left3A_48 : vector<10000x16xi32>
    %convert_element_type3A_50 = arith.extui %bitcast_convert_type3A : vector<10000x16xi16> to vector<10000x16xi32>
    %or3A = arith.ori %shift_left3A_49, %convert_element_type3A_50 : vector<10000x16xi32>
    %swap3A_51 = arith.constant 0 : index
    %swap3A_52 = arith.constant 0 : index
    %swap3A_53 = vector.load %arg5[%swap3A_51, %swap3A_52] : memref<10000x16xi32, #tpu.memory_space<vmem>>, vector<10000x16xi32>
    tpu.vector_store %arg5[%swap3A_51, %swap3A_52], %or3A {strides = array<i32>} : memref<10000x16xi32, #tpu.memory_space<vmem>>, vector<10000x16xi32>,
    return
  }
}

module attributes {stable_mosaic.version = 14 : i64} {
  func.func @_finalize_body(%arg0: memref<32x16xf32, #tpu.memory_space<vmem>>, %arg1: memref<1x1xf32, #tpu.memory_space<smem>>, %arg2: memref<1xf32, #tpu.memory_space<smem>>) attributes {dimension_semantics = [], scalar_prefetch = 0 : i64, scratch_operands = 0 : i64, tpu.core_type = #tpu.core_type<tc>} {
    %get3A = arith.constant 0 : index
    %get3A_0 = arith.constant 0 : index
    %get3A_1 = vector.load %arg0[%get3A, %get3A_0] : memref<32x16xf32, #tpu.memory_space<vmem>>, vector<32x16xf32>
    %reduce_sum3A = vector.shape_cast %get3A_1 : vector<32x16xf32> to vector<1x32x16xf32>
    %reduce_sum3A_2 = arith.constant dense<0.000000e+00> : vector<1xf32>
    %reduce_sum3A_3 = vector.multi_reduction <add>, %reduce_sum3A, %reduce_sum3A_2 [1, 2] : vector<1x32x16xf32> to vector<1xf32>
    %reduce_sum3A_4 = vector.shape_cast %reduce_sum3A_3 : vector<1xf32> to vector<1x1x1xf32>
    %reduce_sum3A_5 = vector.extract %reduce_sum3A_4[0, 0, 0] : f32 from vector<1x1x1xf32>
    %get3A_6 = arith.constant 0 : index
    %get3A_7 = arith.constant 0 : index
    %get3A_8 = memref.load %arg1[%get3A_6, %get3A_7] : memref<1x1xf32, #tpu.memory_space<smem>>
    %mul3A = arith.constant 7.812500e-07 : f32
    %mul3A_9 = arith.mulf %get3A_8, %mul3A : f32
    %mul3A_10 = arith.constant 3.125000e-06 : f32
    %mul3A_11 = arith.mulf %reduce_sum3A_5, %mul3A_10 : f32
    %add3A = arith.addf %mul3A_9, %mul3A_11 : f32
    %swap3A = arith.constant 0 : index
    %swap3A_12 = memref.load %arg2[%swap3A] : memref<1xf32, #tpu.memory_space<smem>>
    memref.store %add3A, %arg2[%swap3A] : memref<1xf32, #tpu.memory_space<smem>>
    return
  }
}

</mosaic_0001>

<sc_bundles>
// kernel: kernel.5.cloned.1.call-start
scs
__scs_entry_jumppad:
0x0: {  	(pc) =	sbr.rel $0x88, $3  }
0x1: {  	(tag) =	ssettag $0x0;
	lr =	simm.s32 $0x1  }
0x2: {  	[smem:$0x3F9A] =	sst lr;
	_ =	strace $0xD0000000  }
0x3: {  	_ = 	snop  }
0x4: {  	_ = 	snop  }
0x5: {  	_ = 	snop  }
0x6: {  	_ = 	snop  }
0x7: {  	_ = 	snop  }
__scs_overlays_trampoline_lowered:
0x8: {  	[smem:$0x3FA9] =	sst s0  }
0x9: {  	[smem:$0x3FAA] =	sst s1  }
0xa: {  	[smem:$0x3FAB] =	sst s2  }
0xb: {  	[smem:$0x3FAC] =	sst s3  }
0xc: {  	[smem:$0x3FAD] =	sst s4  }
0xd: {  	[smem:$0x3FAE] =	sst s5  }
0xe: {  	[smem:$0x3FAF] =	sst s6  }
0xf: {  	[smem:$0x3FB0] =	sst s7  }
0x10: {  	[smem:$0x3FB1] =	sst s8  }
0x11: {  	[smem:$0x3FB2] =	sst s9;
	s0 =	simm.s32 @!p0 $0x0  }
0x12: {  	s1 =	sld [smem:$0x3F98];
	s0 =	simm.s32 @p0 $0x1  }
0x13: {  	[smem:$0x3FB3] =	sst s0;
	s0 =	simm.s32 @!p1 $0x0  }
0x14: {  	s2 =	sld [smem:$0x3F97];
	s0 =	simm.s32 @p1 $0x1  }
0x15: {  	[smem:$0x3FB4] =	sst s0;
	s0 =	simm.s32 @!p2 $0x0  }
0x16: {  	s3 =	sld [smem:$0x3FDB];
	s0 =	simm.s32 @p2 $0x1  }
0x17: {  	s4 =	simm.s32 $0x1BF5;
	[smem:$0x3FB6] =	sst s0  }
0x18: {  	s0 =	sld [smem:$0x3F99];
	_ =	swait.ge [sflag:s4], $0x0  }
0x19: {  	s7 =	sld [smem:$0x3F9A]  }
0x1a: {  	s8 =	sadd.s32 $0xFFFFE003, lr  }
0x1b: {  	s9 =	sadd.s32 $0xFFFFFEF7, lr;
	s5 =	simm.s32 $0xFFFFFFFF;
	p2 =	slt.u32 s8, $0xFFFFF086  }
0x1c: {  	p1 =	slt.u32 s9, $0xF7A;
	s5 =	simm.s32 @!p2 $0x0  }
0x1d: {  	s5 =	simm.s32 @p1 $0x1;
	p0 =	seq.s32 s7, s2  }
0x1e: {  	s7 =	smul.u32 @!p0 $0xF7A, s2;
	p2 =	seq.s32 @!p0 s5, $0x0  }
0x1f: {  	s9 =	smul.u32 $0xF7A, s1;
	s8 =	simm.s32 @!p0 $0x1BF5;
	p2 =	por !p2, p0  }
0x20: {  	[sflag:s8] =	ssyncset.s32 @!p0 $0xFFFFF086;
	s6 =	sadd.s32 @!p0 s3, s7;
	s7 =	simm.s32 @!p0 $0x108  }
0x21: {  	s3 =	sadd.s32 s3, s9;
	s6 =	sadd.s32 @!p0 $0x88, s6;
	s7 =	simm.s32 @p2 $0x1082  }
0x22: {  	[simem:s7], [sflag:s8] =	dma.local @!p0 [hbm:s6], $0xF7A  }
0x23: {  	s9 =	sor.u32 $0xD0000000, s2;
	s6 =	simm.s32 $0x108;
	_ =	swait.ge @!p0 [sflag:s8], $0x0  }
0x24: {  	s3 =	sadd.s32 $0x88, s3;
	s6 =	simm.s32 @!p1 $0x1082;
	[sflag:s4] =	ssyncset.s32 $0xFFFFF086  }
0x25: {  	[simem:s6], [sflag:s4] =	dma.local [hbm:s3], $0xF7A  }
0x26: {  	[smem:$0x3F9A] =	sst s1;
	(tag) =	ssettag s2;
	_ =	strace s9  }
0x27: {  	s1 =	sld [smem:$0x3FAA]  }
0x28: {  	s2 =	sld [smem:$0x3FAB]  }
0x29: {  	s4 =	sld [smem:$0x3FAD]  }
0x2a: {  	p0 =	seq.s32 s5, $0x0;
	s5 =	sld [smem:$0x3FAE]  }
0x2b: {  	s6 =	sld [smem:$0x3FAF]  }
0x2c: {  	s7 =	sld [smem:$0x3FB0]  }
0x2d: {  	s3 =	simm.s32 $0x108;
	s8 =	sld [smem:$0x3FB1]  }
0x2e: {  	s3 =	simm.s32 @!p0 $0x1082;
	s9 =	sld [smem:$0x3FB2]  }
0x2f: {  	lr =	sadd.s32 s0, s3;
	s0 =	sld [smem:$0x3FA9]  }
0x30: {  	s3 =	sld [smem:$0x3FAC]  }
0x31: {  	[smem:$0x3FB5] =	sst s10  }
0x32: {  	s10 =	sld [smem:$0x3FB3];
	_ =	sdelay $0x3  }
0x33: {  	p0 =	seq.s32 s10, $0x1;
	s10 =	sld [smem:$0x3FB5];
	_ =	sdelay $0x3  }
0x34: {  	[smem:$0x3FB5] =	sst s10  }
0x35: {  	s10 =	sld [smem:$0x3FB4];
	_ =	sdelay $0x3  }
0x36: {  	p1 =	seq.s32 s10, $0x1;
	s10 =	sld [smem:$0x3FB5];
	_ =	sdelay $0x3  }
0x37: {  	[smem:$0x3FB5] =	sst s10  }
0x38: {  	s10 =	sld [smem:$0x3FB6]  }
0x39: {  	_ = 	snop;
	(pc) =	sbr.ind lr, $3  }
0x3a: {  	_ = 	snop  }
0x3b: {  	_ = 	snop  }
0x3c: {  	p2 =	seq.s32 s10, $0x1;
	s10 =	sld [smem:$0x3FB5]  }
0x3d: {  	_ =	shalt  }
0x3e: {  	_ =	shalt  }
0x3f: {  	_ =	shalt  }
0x40: {  	_ =	shalt  }
0x41: {  	_ =	shalt  }
0x42: {  	_ =	shalt  }
0x43: {  	_ =	shalt  }
0x44: {  	_ =	shalt  }
0x45: {  	_ =	shalt  }
0x46: {  	_ =	shalt  }
0x47: {  	_ =	shalt  }
0x48: {  	_ =	shalt  }
0x49: {  	_ =	shalt  }
0x4a: {  	_ =	shalt  }
0x4b: {  	_ =	shalt  }
0x4c: {  	_ =	shalt  }
0x4d: {  	_ =	shalt  }
0x4e: {  	_ =	shalt  }
0x4f: {  	_ =	shalt  }
0x50: {  	_ =	shalt  }
0x51: {  	_ =	shalt  }
0x52: {  	_ =	shalt  }
0x53: {  	_ =	shalt  }
0x54: {  	_ =	shalt  }
0x55: {  	_ =	shalt  }
0x56: {  	_ =	shalt  }
0x57: {  	_ =	shalt  }
0x58: {  	_ =	shalt  }
0x59: {  	_ =	shalt  }
0x5a: {  	_ =	shalt  }
0x5b: {  	_ =	shalt  }
0x5c: {  	_ =	shalt  }
0x5d: {  	_ =	shalt  }
0x5e: {  	_ =	shalt  }
0x5f: {  	_ =	shalt  }
0x60: {  	_ =	shalt  }
0x61: {  	_ =	shalt  }
0x62: {  	_ =	shalt  }
0x63: {  	_ =	shalt  }
0x64: {  	_ =	shalt  }
0x65: {  	_ =	shalt  }
0x66: {  	_ =	shalt  }
0x67: {  	_ =	shalt  }
0x68: {  	_ =	shalt  }
0x69: {  	_ =	shalt  }
0x6a: {  	_ =	shalt  }
0x6b: {  	_ =	shalt  }
0x6c: {  	_ =	shalt  }
0x6d: {  	_ =	shalt  }
0x6e: {  	_ =	shalt  }
0x6f: {  	_ =	shalt  }
0x70: {  	_ =	shalt  }
0x71: {  	_ =	shalt  }
0x72: {  	_ =	shalt  }
0x73: {  	_ =	shalt  }
0x74: {  	_ =	shalt  }
0x75: {  	_ =	shalt  }
0x76: {  	_ =	shalt  }
0x77: {  	_ =	shalt  }
0x78: {  	_ =	shalt  }
0x79: {  	_ =	shalt  }
0x7a: {  	_ =	shalt  }
0x7b: {  	_ =	shalt  }
0x7c: {  	_ =	shalt  }
0x7d: {  	_ =	shalt  }
0x7e: {  	_ =	shalt  }
0x7f: {  	_ =	shalt  }
0x80: {  	_ =	shalt  }
0x81: {  	_ =	shalt  }
0x82: {  	_ =	shalt  }
0x83: {  	_ =	shalt  }
0x84: {  	_ =	shalt  }
0x85: {  	_ =	shalt  }
0x86: {  	_ =	shalt  }
0x87: {  	_ =	shalt  }
.Lfunc_end0:
.L_simem_size_0:
called_computation_lowered:
.L_overlay_start_0:
0x88: {  	s2 =	sld [smem:$0x3FD9]  }
0x89: {  	s3 =	sld [smem:$0x3FFE];
	_ =	sdelay $0x1  }
0x8a: {  	s1 =	srdreg.scid  }
0x8b: {  	s0 =	sand.u32 $0x1, s1  }
0x8c: {  	s17 =	sshll.u32 s0, $0xA;
	s2 =	sadd.s32 s3, s2  }
0x8d: {  	s2 =	sadd.s32 s2, s17  }
0x8e: {  	[smem:$0x3FC1] =	sst s2  }
0x8f: {  	_ = 	snop  }
0x90: {  	s2 =	sld [smem:$0x3FC7];
	(tm) =	ssettm $0x1  }
0x91: {  	s18 =	sld [smem:$0x3FFB];
	_ =	sdelay $0x3  }
0x92: {  	_ =	strace s18  }
0x93: {  	s3 =	sld [smem:$0x3FFC];
	_ =	sdelay $0x3  }
0x94: {  	_ =	strace s3  }
0x95: {  	s3 =	sld [smem:$0x3FFD];
	_ =	sdelay $0x3  }
0x96: {  	_ =	strace s3  }
0x97: {  	_ =	strace $0x8FFFFFFF  }
0x98: {  	s19 =	sld [smem:$0x3FDB];
	_ =	sdelay $0x1  }
0x99: {  	s4 =	simm.s32 $_scs_section_size  }
0x9a: {  	s5 =	simm.s32 $_size__tile_overlayer_lowered;
	s6 =	simm.s32 $_tile_overlayer_lowered  }
0x9b: {  	s22 =	simm.s32 $0x1BFF;
	s21 =	sshll.u32 s6, $0x1;
	s3 =	sadd.s32 s4, s19  }
0x9c: {  	s7 =	simm.s32 $0x0;
	s20 =	sshll.u32 s5, $0x1;
	s5 =	sadd.s32 s21, s3  }
0x9d: {  	[timem:s7], [sflag:s22] =	dma.local [hbm:s5], s20  }
0x9e: {  	_ =	swait.ge [sflag:s22], s20  }
0x9f: {  	s4 =	ssub.s32 $0x0, s20;
	[sflag:s22] =	ssyncset.done $0x0  }
0xa0: {  	[sflag:s22] =	ssyncadd.s32 s4;
	_ =	sdelay $0x1  }
0xa1: {  	s23 =	simm.s32 $0x1B8B  }
0xa2: {  	_ =	swait.ge [sflag:s23], $0x1  }
0xa3: {  	[sflag:s23] =	ssyncset.done $0x0  }
0xa4: {  	s25 =	simm.s32 $0x1B8E;
	s24 =	sld [smem:$0x3FFE];
	[sflag:s23] =	ssyncadd.s32 $0xFFFFFFFF  }
0xa5: {  	s26 =	simm.s32 $execute0_lowered;
	[smem:$0x3FD2] =	sst s25  }
0xa6: {  	s5 =	sshll.u32 s26, $0x1;
	_ =	strace $0x80000046;
	[dreg:$0x1] =	wrdreg $0xFFFFFFFF  }
0xa7: {  	s28 =	simm.s32 $_size_execute0_lowered;
	s3 =	sadd.s32 s3, s5;
	[dreg:$0x0] =	wrdreg $0x0  }
0xa8: {  	s5 =	sshll.u32 s28, $0x1;
	[dreg:$0x2] =	wrdreg s3  }
0xa9: {  	[dreg:$0x3] =	wrdreg s5  }
0xaa: {  	[dreg:$0x4] =	wrdreg $0xC0  }
0xab: {  	_ =	task [dreg:s7], $0x5FFFF  }
0xac: {  	[dreg:$0x1] =	wrdreg $0xFFFFFFFF  }
0xad: {  	[dreg:$0x0] =	wrdreg $0x60  }
0xae: {  	[dreg:$0x2] =	wrdreg s24  }
0xaf: {  	[dreg:$0x3] =	wrdreg s2  }
0xb0: {  	[dreg:$0x4] =	wrdreg $0x9  }
0xb1: {  	_ =	task.clear_ibuf [dreg:s7], $0x5FFFF;
	_ =	strace $0x90000046  }
0xb2: {  	s29 =	simm.s32 $0x9;
	_ =	strace $0x80000048  }
0xb3: {  	_ =	swait.ge [sflag:s29], $0x1  }
0xb4: {  	[sflag:s29] =	ssyncadd.s32 $0xFFFFFFFF  }
0xb5: {  	_ =	strace $0x90000048  }
0xb6: {  	_ =	sfence  }
0xb7: {  	s30 =	sld [smem:$0x0];
	_ =	sdelay $0x2  }
0xb8: {  	s31 =	sshll.u32 s1, $0xD;
	s1 =	sshrl.u32 s1, $0x2  }
0xb9: {  	s3 =	sand.u32 $0x4000, s31;
	s1 =	sadd.s32 s1, s30  }
0xba: {  	s0 =	sor.u32 s3, s0;
	s1 =	sshll.u32 s1, $0x11  }
0xbb: {  	s0 =	sor.u32 s1, s0  }
0xbc: {  	s0 =	sadd.s32 $0x8F2B, s0  }
0xbd: {  	[sflag:s0] =	ssyncadd.remote.s32 $0x1  }
0xbe: {  	_ =	sfence.sel $0xFFFF  }
0xbf: {  	[dreg:$0x0] =	wrdreg $0xFFFFFFFF;
	(pc) =	sbr.abs _section_cstart, $3  }
0xc0: {  	[dreg:$0x1] =	wrdreg $0xFFFFFFFF  }
0xc1: {  	_ =	task.clear_ibuf [dreg:s7], $0x2FFFF;
	_ =	strace $0x9FFFFFFF  }
0xc2: {  	(tm) =	ssettm $0x7FFFFFFF  }
0xc3: {  	_ =	shalt  }
tec
execute0_lowered:
.L_overlay_start_1:
0x0: {  	(tag) =	ssettag $0x1  }
0x1: {  	s4 =	rddreg [dreg:$0x0];
	s1 =	srdreg.scid  }
0x2: {  	s0 =	stileid.u32;
	s6 =	rddreg [dreg:$0x1]  }
0x3: {  	s2 =	simm.s32 $0x0;
	s11 =	simm.s32 $0x7540;
	s12 =	simm.s32 $0x9540  }
0x4: {  	s13 =	simm.s32 $0x200;
	s14 =	simm.s32 $0xB540;
	s15 =	simm.s32 $0xD540  }
0x5: {  	s16 =	simm.s32 $0x2;
	s17 =	simm.s32 $0x7530;
	s18 =	simm.s32 $0x3  }
0x6: {  	s5 =	sand.u32 $0x1, s1;
	s3 =	sshll.u32 s0, $0x1;
	[smem:$0x7FF] =	sst s2  }
0x7: {  	s19 =	simm.s32 $0x0;
	s7 =	sor.u32 s5, s3;
	_ =	strace $0x80000047  }
0x8: {  	s5 =	ssub.s32 $0x2, s5;
	s8 =	smul.u32 $0x4E2, s7;
	s7 =	sshll.u32 s7, $0x1  }
0x9: {  	s3 =	sadd.s32 $0xA00, s4;
	s10 =	sshrl.u32 s5, $0x1;
	s7 =	sadd.s32 s7, s4  }
0xa: {  	s10 =	ssub.s32 s5, s10;
	s9 =	sadd.s32 s8, s4;
	s6 =	sadd.s32 s6, s8  }
0xb: {  	v0 =	vlaneseq.u32;
	s7 =	sadd.s32 $0x19600, s7;
	s8 =	smax.u32 s10, $0x1;
	s10 =	simm.s32 $0x1  }
0xc: {  	v0 =	vmul.u32 $0x10, v0;
	s4 =	sadd.s32 $0xF800, s9;
	s5 =	sadd.s32 $0x5A00, s9;
	s9 =	simm.s32 $0x2710  }
.LBB2_1:
0xd: {  	[tilespmem:s2], [sflag:$0x1] =	stream.linear.gather [hbm4b:s4+s2], $0x2710, $0x38;
	[tilespmem:$0xF540] =	vst v63  }
0xe: {  	_ = 	snop  }
0xf: {  	[tilespmem:s9], [sflag:$0x1] =	stream.linear.gather [hbm4b:s5+s2], $0x2710, $0x38;
	[tilespmem:$0xF540] =	vst v63  }
0x10: {  	s20 =	simm.s32 $0x4E20  }
0x11: {  	[tilespmem:s20], [sflag:$0x1] =	stream.linear.gather [hbm4b:s6+s2], $0x2710, $0x38;
	[tilespmem:$0xF540] =	vst v63  }
0x12: {  	_ =	swait.ge [sflag:s10], $0x2710  }
0x13: {  	[sflag:s10] =	ssyncset.done $0x0  }
0x14: {  	[sflag:s10] =	ssyncadd.s32 $0xFFFFD8F0  }
0x15: {  	_ =	swait.ge [sflag:s10], $0x2710  }
0x16: {  	[sflag:s10] =	ssyncset.done $0x0  }
0x17: {  	[sflag:s10] =	ssyncadd.s32 $0xFFFFD8F0  }
0x18: {  	_ =	swait.ge [sflag:s10], $0x2710  }
0x19: {  	[sflag:s10] =	ssyncset.done $0x0  }
0x1a: {  	[sflag:s10] =	ssyncadd.s32 $0xFFFFD8F0  }
0x1b: {  	[tilespmem:s11], [sflag:$0x1] =	stream.indirect.gather [hbm4b:s3+s13], $0x10, s2, s13, $0xb8;
	[tilespmem:$0xF540] =	vst v63  }
0x1c: {  	s21 =	simm.s32 $0x200;
	s22 =	simm.s32 $0x0  }
0x1d: {  	v1 =	vimm.f32 $0.0e+00;
	[tilespmem:s12], [sflag:$0x1] =	stream.indirect.gather [hbm4b:s3+s13], $0x10, s9, s13, $0xb8;
	[tilespmem:$0xF540] =	vst v63  }
.LBB2_2:
0x1e: {  	s26 =	sshll.u32 s22, $0xA  }
0x1f: {  	s23 =	sor.u32 $0x200, s26  }
0x20: {  	s24 =	smin.u32 s23, $0x2510  }
0x21: {  	[tilespmem:s14], [sflag:$0x2] =	stream.indirect.gather [hbm4b:s3+s13], $0x10, s24, s13, $0xb8;
	[tilespmem:$0xF540] =	vst v63  }
0x22: {  	s25 =	simm.s32 $0x0;
	s24 =	sadd.s32 $0x2710, s24  }
0x23: {  	v2 =	vmov s25;
	[tilespmem:s15], [sflag:$0x2] =	stream.indirect.gather [hbm4b:s3+s13], $0x10, s24, s13, $0xb8;
	[tilespmem:$0xF540] =	vst v63  }
0x24: {  	v2 =	vshll.u32 v2, $0x4;
	_ =	swait.ge [sflag:s10], $0x2000  }
0x25: {  	v2 =	vor.u32 v0, v2;
	[sflag:s10] =	ssyncset.done $0x0  }
0x26: {  	v3 =	vor.u32 $0x2, v2;
	[sflag:s10] =	ssyncadd.s32 $0xFFFFE000  }
0x27: {  	_ =	swait.ge [sflag:s10], $0x2000  }
0x28: {  	[sflag:s10] =	ssyncset.done $0x0  }
0x29: {  	v4 =	vor.u32 $0x3, v2;
	[sflag:s10] =	ssyncadd.s32 $0xFFFFE000  }
0x2a: {  	v6 =	vor.u32 $0xA, v2;
	v5 =	vld.idx.msk [tilespmem:v2+s11+$0x0], $0xffff  }
0x2b: {  	v8 =	vor.u32 $0xB, v2;
	v7 =	vld.idx.msk [tilespmem:v3+s11+$0x0], $0xffff  }
0x2c: {  	v9 =	vld.idx.msk [tilespmem:v2+s12+$0x0], $0xffff  }
0x2d: {  	v10 =	vor.u32 $0x6, v2;
	v3 =	vld.idx.msk [tilespmem:v3+s12+$0x0], $0xffff  }
0x2e: {  	v11 =	vor.u32 $0x8, v2;
	v12 =	vld.idx.msk [tilespmem:v4+s12+$0x0], $0xffff  }
0x2f: {  	v13 =	vld.idx.msk [tilespmem:v6+s12+$0x0], $0xffff  }
0x30: {  	v14 =	vor.u32 $0x5, v2;
	v15 =	vld.idx.msk [tilespmem:v8+s12+$0x0], $0xffff  }
0x31: {  	v16 =	vor.u32 $0x4, v2;
	v6 =	vld.idx.msk [tilespmem:v6+s11+$0x0], $0xffff  }
0x32: {  	v17 =	vor.u32 $0x7, v2;
	v18 =	vld.idx.msk [tilespmem:v10+s12+$0x0], $0xffff  }
0x33: {  	v19 =	vld.idx.msk [tilespmem:v11+s12+$0x0], $0xffff  }
0x34: {  	v11 =	vld.idx.msk [tilespmem:v11+s11+$0x0], $0xffff  }
0x35: {  	v20 =	vor.u32 $0x1, v2;
	v21 =	vld.idx.msk [tilespmem:v14+s12+$0x0], $0xffff  }
0x36: {  	v22 =	vld.idx.msk [tilespmem:v16+s11+$0x0], $0xffff  }
0x37: {  	v23 =	vld.idx.msk [tilespmem:v17+s11+$0x0], $0xffff  }
0x38: {  	v16 =	vld.idx.msk [tilespmem:v16+s12+$0x0], $0xffff  }
0x39: {  	v17 =	vld.idx.msk [tilespmem:v17+s12+$0x0], $0xffff  }
0x3a: {  	v24 =	vld.idx.msk [tilespmem:v20+s12+$0x0], $0xffff  }
0x3b: {  	v25 =	vor.u32 $0x9, v2;
	v14 =	vld.idx.msk [tilespmem:v14+s11+$0x0], $0xffff  }
0x3c: {  	v10 =	vld.idx.msk [tilespmem:v10+s11+$0x0], $0xffff  }
0x3d: {  	v26 =	vor.u32 $0xE, v2;
	v4 =	vld.idx.msk [tilespmem:v4+s11+$0x0], $0xffff  }
0x3e: {  	v20 =	vld.idx.msk [tilespmem:v20+s11+$0x0], $0xffff  }
0x3f: {  	v27 =	vor.u32 $0xC, v2;
	v8 =	vld.idx.msk [tilespmem:v8+s11+$0x0], $0xffff  }
0x40: {  	v28 =	vor.u32 $0xF, v2;
	v29 =	vld.idx.msk [tilespmem:v25+s11+$0x0], $0xffff  }
0x41: {  	v25 =	vld.idx.msk [tilespmem:v25+s12+$0x0], $0xffff  }
0x42: {  	s25 =	simm.s32 $0x10;
	v2 =	vor.u32 $0xD, v2;
	v5 =	vsub.bf16 v5, v9;
	v9 =	vld.idx.msk [tilespmem:v26+s11+$0x0], $0xffff;
	v6 =	vsub.bf16 v6, v13  }
0x43: {  	v13 =	vsub.bf16 v22, v16;
	v16 =	vld.idx.msk [tilespmem:v26+s12+$0x0], $0xffff;
	v22 =	vmov s25;
	v11 =	vsub.bf16 v11, v19  }
0x44: {  	v19 =	vld.idx.msk [tilespmem:v27+s11+$0x0], $0xffff;
	v14 =	vsub.bf16 v14, v21;
	v17 =	vsub.bf16 v23, v17;
	v22 =	vshll.u32 v22, $0x4  }
0x45: {  	v26 =	vld.idx.msk [tilespmem:v28+s11+$0x0], $0xffff;
	v10 =	vsub.bf16 v10, v18;
	v3 =	vsub.bf16 v7, v3;
	v22 =	vor.u32 v0, v22  }
0x46: {  	v21 =	vld.idx.msk [tilespmem:v27+s12+$0x0], $0xffff;
	v4 =	vsub.bf16 v4, v12;
	v8 =	vsub.bf16 v8, v15  }
0x47: {  	v7 =	vld.idx.msk [tilespmem:v2+s11+$0x0], $0xffff;
	v5 =	vmul.bf16 v5, v5;
	v6 =	vmul.bf16 v6, v6;
	v23 =	vor.u32 $0x2, v22  }
0x48: {  	v2 =	vld.idx.msk [tilespmem:v2+s12+$0x0], $0xffff;
	v20 =	vsub.bf16 v20, v24;
	v13 =	vmul.bf16 v13, v13;
	v11 =	vmul.bf16 v11, v11  }
0x49: {  	v15 =	vld.idx.msk [tilespmem:v28+s12+$0x0], $0xffff;
	v12 =	vmul.bf16 v17, v17;
	v3 =	vmul.bf16 v3, v3;
	v27 =	vor.u32 $0xA, v22  }
0x4a: {  	v4 =	vmul.bf16 v4, v4;
	v20 =	vmul.bf16 v20, v20;
	v30 =	vor.u32 $0xB, v22;
	v18 =	vld.idx.msk [tilespmem:v22+s11+$0x0], $0xffff  }
0x4b: {  	v25 =	vsub.bf16 v29, v25;
	v14 =	vmul.bf16 v14, v14;
	v10 =	vmul.bf16 v10, v10;
	v32 =	vld.idx.msk [tilespmem:v22+s12+$0x0], $0xffff  }
0x4c: {  	v8 =	vmul.bf16 v8, v8;
	v17 =	vor.u32 $0x6, v22;
	v24 =	vor.u32 $0x5, v22;
	v28 =	vld.idx.msk [tilespmem:v23+s11+$0x0], $0xffff  }
0x4d: {  	v33 =	vor.u32 $0x8, v22;
	v5 =	vadd.bf16 v13, v5;
	v4 =	vadd.bf16 v12, v4;
	v23 =	vld.idx.msk [tilespmem:v23+s12+$0x0], $0xffff  }
0x4e: {  	v31 =	vor.u32 $0x7, v22;
	v14 =	vadd.bf16 v14, v20;
	v2 =	vsub.bf16 v7, v2;
	v7 =	vld.idx.msk [tilespmem:v27+s12+$0x0], $0xffff  }
0x4f: {  	v13 =	vor.u32 $0x3, v22;
	v5 =	vadd.bf16 v11, v5;
	v11 =	vsub.bf16 v26, v15;
	v15 =	vld.idx.msk [tilespmem:v30+s12+$0x0], $0xffff  }
0x50: {  	v29 =	vor.u32 $0x4, v22;
	v3 =	vadd.bf16 v10, v3;
	v9 =	vsub.bf16 v9, v16;
	v10 =	vld.idx.msk [tilespmem:v27+s11+$0x0], $0xffff  }
0x51: {  	v19 =	vsub.bf16 v19, v21;
	v4 =	vadd.bf16 v8, v4;
	v8 =	vmul.bf16 v11, v11;
	v11 =	vld.idx.msk [tilespmem:v17+s12+$0x0], $0xffff  }
0x52: {  	v21 =	vmul.bf16 v25, v25;
	v3 =	vadd.bf16 v6, v3;
	v6 =	vmul.bf16 v9, v9;
	v9 =	vld.idx.msk [tilespmem:v33+s12+$0x0], $0xffff  }
0x53: {  	v17 =	vld.idx.msk [tilespmem:v17+s11+$0x0], $0xffff  }
0x54: {  	v2 =	vmul.bf16 v2, v2;
	v14 =	vadd.bf16 v21, v14;
	v12 =	vld.idx.msk [tilespmem:v13+s12+$0x0], $0xffff  }
0x55: {  	v19 =	vmul.bf16 v19, v19;
	v3 =	vadd.bf16 v6, v3;
	v6 =	vld.idx.msk [tilespmem:v24+s12+$0x0], $0xffff  }
0x56: {  	v16 =	vor.u32 $0x1, v22;
	v2 =	vadd.bf16 v2, v14;
	v14 =	vld.idx.msk [tilespmem:v29+s11+$0x0], $0xffff  }
0x57: {  	v5 =	vadd.bf16 v19, v5;
	v19 =	vld.idx.msk [tilespmem:v31+s12+$0x0], $0xffff  }
0x58: {  	v24 =	vld.idx.msk [tilespmem:v24+s11+$0x0], $0xffff  }
0x59: {  	v21 =	vor.u32 $0x9, v22;
	v13 =	vld.idx.msk [tilespmem:v13+s11+$0x0], $0xffff;
	v4 =	vadd.bf16 v8, v4  }
0x5a: {  	v25 =	vor.u32 $0xE, v22;
	v8 =	vld.idx.msk [tilespmem:v33+s11+$0x0], $0xffff  }
0x5b: {  	v20 =	vld.idx.msk [tilespmem:v16+s12+$0x0], $0xffff;
	v2 =	vadd.bf16 v2, v5;
	v3 =	vadd.bf16 v4, v3  }
0x5c: {  	v4 =	vld.idx.msk [tilespmem:v31+s11+$0x0], $0xffff;
	v7 =	vsub.bf16 v10, v7;
	v10 =	vor.u32 $0xC, v22  }
0x5d: {  	v5 =	vld.idx.msk [tilespmem:v29+s12+$0x0], $0xffff;
	v2 =	vadd.bf16 v3, v2  }
0x5e: {  	v26 =	vld.idx.msk [tilespmem:v21+s11+$0x0], $0xffff  }
0x5f: {  	v11 =	vsub.bf16 v17, v11;
	v6 =	vsub.bf16 v24, v6;
	v24 =	vld.idx.msk [tilespmem:v25+s12+$0x0], $0xffff;
	v3 =	vshll.u32 v2, $0x10  }
0x60: {  	v8 =	vsub.bf16 v8, v9;
	v27 =	vmul.bf16 v7, v7;
	v7 =	vld.idx.msk [tilespmem:v21+s12+$0x0], $0xffff;
	v2 =	vadd.f32 v3, v2  }
0x61: {  	s31 =	simm.s32 $0x20;
	v9 =	vsub.bf16 v18, v32;
	v18 =	vor.u32 $0xF, v22;
	v4 =	vsub.bf16 v4, v19;
	v19 =	vld.idx.msk [tilespmem:v10+s11+$0x0], $0xffff  }
0x62: {  	v17 =	vmov s31;
	v5 =	vsub.bf16 v14, v5;
	v3 =	vadd.f32 $9.999999960e-13, v2;
	v2 =	vld.idx.msk [tilespmem:v16+s11+$0x0], $0xffff  }
0x63: {  	v12 =	vsub.bf16 v13, v12;
	v21 =	vor.u32 $0xD, v22;
	v11 =	vmul.bf16 v11, v11;
	v16 =	vld.idx.msk [tilespmem:v30+s11+$0x0], $0xffff  }
0x64: {  	v23 =	vsub.bf16 v28, v23;
	v9 =	vmul.bf16 v9, v9;
	v5 =	vmul.bf16 v5, v5;
	v10 =	vld.idx.msk [tilespmem:v10+s12+$0x0], $0xffff  }
0x65: {  	v17 =	vshll.u32 v17, $0x4;
	v12 =	vmul.bf16 v12, v12;
	v6 =	vmul.bf16 v6, v6;
	v30 =	vld.idx.msk [tilespmem:v25+s11+$0x0], $0xffff  }
0x66: {  	v8 =	vmul.bf16 v8, v8;
	v28 =	vld.idx.msk [tilespmem:v18+s11+$0x0], $0xffff;
	v5 =	vadd.bf16 v5, v9;
	v9 =	vor.u32 v0, v17  }
0x67: {  	v4 =	vmul.bf16 v4, v4;
	v17 =	vmul.bf16 v23, v23;
	v18 =	vld.idx.msk [tilespmem:v18+s12+$0x0], $0xffff  }
0x68: {  	v7 =	vsub.bf16 v26, v7;
	v31 =	vor.u32 $0x5, v9;
	v13 =	vsub.bf16 v16, v15;
	v16 =	vld.idx.msk [tilespmem:v21+s11+$0x0], $0xffff  }
0x69: {  	v14 =	vshra.s32 v3, $0x1;
	v22 =	vmul.f32 $-5.000000000e-01, v3;
	v58 =	vor.u32 $0x7, v9;
	v21 =	vld.idx.msk [tilespmem:v21+s12+$0x0], $0xffff  }
0x6a: {  	v23 =	vor.u32 $0x3, v9;
	v35 =	vor.u32 $0xA, v9;
	v20 =	vsub.bf16 v2, v20;
	v2 =	vld [tilespmem:s20+$0x0]  }
0x6b: {  	v26 =	vor.u32 $0x4, v9;
	v11 =	vadd.bf16 v11, v17;
	v15 =	vor.u32 $0x2, v9;
	v34 =	vld.idx.msk [tilespmem:v9+s11+$0x0], $0xffff  }
0x6c: {  	v59 =	vor.u32 $0x8, v9;
	v14 =	vsub.s32 $0x5F3759DF, v14;
	v10 =	vsub.bf16 v19, v10;
	v19 =	vld.idx.msk [tilespmem:v9+s12+$0x0], $0xffff  }
0x6d: {  	v29 =	vmul.f32 v14, v14;
	v11 =	vadd.bf16 v27, v11;
	v20 =	vmul.bf16 v20, v20;
	v27 =	vld.idx.msk [tilespmem:v31+s12+$0x0], $0xffff  }
0x6e: {  	v5 =	vadd.bf16 v8, v5;
	v8 =	vmul.bf16 v13, v13;
	v13 =	vsub.bf16 v28, v18;
	v28 =	vld.idx.msk [tilespmem:v58+s11+$0x0], $0xffff  }
0x6f: {  	v25 =	vmul.f32 v29, v22;
	v29 =	vor.u32 $0x6, v9;
	v6 =	vadd.bf16 v6, v20;
	v20 =	vld.idx.msk [tilespmem:v35+s11+$0x0], $0xffff  }
0x70: {  	v37 =	vor.u32 $0xB, v9;
	v4 =	vadd.bf16 v4, v12;
	v12 =	vmul.bf16 v7, v7;
	v36 =	vld.idx.msk [tilespmem:v15+s11+$0x0], $0xffff  }
0x71: {  	v10 =	vmul.bf16 v10, v10;
	v18 =	vsub.bf16 v30, v24;
	v38 =	vld.idx.msk [tilespmem:v15+s12+$0x0], $0xffff;
	v7 =	vsub.bf16 v16, v21  }
0x72: {  	v4 =	vadd.bf16 v8, v4;
	v8 =	vmul.bf16 v13, v13;
	v13 =	vadd.f32 $1.500000000e+00, v25;
	v16 =	vld.idx.msk [tilespmem:v23+s12+$0x0], $0xffff  }
0x73: {  	v15 =	vld.idx.msk [tilespmem:v35+s12+$0x0], $0xffff;
	v6 =	vadd.bf16 v12, v6;
	v12 =	vmul.bf16 v18, v18;
	v17 =	vmul.bf16 v7, v7  }
0x74: {  	v5 =	vadd.bf16 v10, v5;
	v18 =	vld.idx.msk [tilespmem:v29+s12+$0x0], $0xffff;
	v4 =	vadd.bf16 v8, v4;
	v8 =	vmul.f32 v14, v13  }
0x75: {  	v13 =	vld.idx.msk [tilespmem:v59+s12+$0x0], $0xffff;
	v10 =	vadd.bf16 v12, v11;
	v6 =	vadd.bf16 v17, v6  }
0x76: {  	v29 =	vld.idx.msk [tilespmem:v29+s11+$0x0], $0xffff;
	v12 =	vmul.f32 v8, v8  }
0x77: {  	v7 =	vld.idx.msk [tilespmem:v37+s12+$0x0], $0xffff;
	v4 =	vadd.bf16 v4, v10;
	v5 =	vadd.bf16 v6, v5  }
0x78: {  	v14 =	vor.u32 $0x1, v9;
	v11 =	vld.idx.msk [tilespmem:v59+s11+$0x0], $0xffff;
	v10 =	vmul.f32 v12, v22  }
0x79: {  	v6 =	vld.idx.msk [tilespmem:v26+s11+$0x0], $0xffff;
	v4 =	vadd.bf16 v4, v5  }
0x7a: {  	v61 =	vor.u32 $0xE, v9;
	v12 =	vadd.f32 $1.500000000e+00, v10;
	v5 =	vld.idx.msk [tilespmem:v26+s12+$0x0], $0xffff  }
0x7b: {  	v30 =	vor.u32 $0x9, v9;
	v19 =	vsub.bf16 v34, v19;
	v26 =	vld.idx.msk [tilespmem:v58+s12+$0x0], $0xffff;
	v17 =	vshll.u32 v4, $0x10  }
0x7c: {  	v60 =	vmul.f32 v12, v8;
	v8 =	vsub.bf16 v20, v15;
	v15 =	vld.idx.msk [tilespmem:v31+s11+$0x0], $0xffff;
	v4 =	vadd.f32 v17, v4  }
0x7d: {  	v21 =	vor.u32 $0xC, v9;
	v24 =	vmul.bf16 v19, v19;
	v18 =	vsub.bf16 v29, v18;
	v10 =	vld.idx.msk [tilespmem:v14+s12+$0x0], $0xffff  }
0x7e: {  	v11 =	vsub.bf16 v11, v13;
	v31 =	vld.idx.msk [tilespmem:v23+s11+$0x0], $0xffff;
	v20 =	vmul.f32 v60, v60;
	v4 =	vadd.f32 $9.999999960e-13, v4  }
0x7f: {  	v13 =	vor.u32 $0xD, v9;
	v12 =	vor.u32 $0xF, v9;
	v23 =	vld.idx.msk [tilespmem:v37+s11+$0x0], $0xffff;
	v8 =	vmul.bf16 v8, v8  }
0x80: {  	v17 =	vld.idx.msk [tilespmem:v14+s11+$0x0], $0xffff;
	v9 =	vsub.bf16 v6, v5;
	v14 =	vmul.f32 v20, v22;
	v5 =	vshra.s32 v4, $0x1  }
0x81: {  	v20 =	vld.idx.msk [tilespmem:v30+s11+$0x0], $0xffff;
	v28 =	vsub.bf16 v28, v26;
	v19 =	vsub.bf16 v15, v27;
	v6 =	vsub.s32 $0x5F3759DF, v5  }
0x82: {  	v22 =	vld.idx.msk [tilespmem:v30+s12+$0x0], $0xffff;
	v63 =	vadd.f32 $1.500000000e+00, v14;
	v5 =	vmul.f32 $-5.000000000e-01, v4;
	v62 =	vmul.f32 v6, v6  }
0x83: {  	s28 =	sadd.s32 $0x10, s20;
	s24 =	smin.u32 s21, $0x2510;
	v15 =	vmul.bf16 v11, v11;
	v27 =	vsub.bf16 v31, v16;
	v16 =	vld.idx.msk [tilespmem:v61+s12+$0x0], $0xffff;
	v25 =	vmul.bf16 v9, v9  }
0x84: {  	s30 =	simm.s32 $0x30;
	s29 =	smov.u32 s28;
	s25 =	sadd.s32 $0x4E20, s24;
	v26 =	vsub.bf16 v36, v38;
	v14 =	vld.idx.msk [tilespmem:v61+s11+$0x0], $0xffff;
	v11 =	vmul.f32 v63, v60;
	v9 =	vmul.f32 v62, v5  }
.LBB2_3:
0x85: {  	v29 =	vmov s30;
	p0 =	sne.s32 s30, $0x1F0;
	s30 =	sadd.s32 $0x10, s30;
	v24 =	vadd.bf16 v25, v24;
	v25 =	vmul.bf16 v28, v28;
	v28 =	vld.idx.msk [tilespmem:v21+s11+$0x0], $0xffff;
	s28 =	sadd.s32 $0x10, s28  }
0x86: {  	v7 =	vsub.bf16 v23, v7;
	v29 =	vshll.u32 v29, $0x4;
	v23 =	vld.idx.msk [tilespmem:v12+s11+$0x0], $0xffff;
	v11 =	vmul.f32 v11, v3;
	v3 =	vmovc v4  }
0x87: {  	v4 =	vmul.bf16 v26, v26;
	v26 =	vmul.bf16 v27, v27;
	v29 =	vor.u32 v0, v29;
	v21 =	vld.idx.msk [tilespmem:v21+s12+$0x0], $0xffff  }
0x88: {  	v27 =	vor.u32 $0x2, v29;
	v30 =	vor.u32 $0x3, v29;
	v31 =	vld.idx.msk [tilespmem:v13+s11+$0x0], $0xffff;
	v11 =	vmul.f32 v11, v2  }
0x89: {  	v32 =	vor.u32 $0x1, v29;
	v33 =	vor.u32 $0x6, v29;
	v2 =	vsub.bf16 v17, v10;
	v10 =	vld.idx.msk [tilespmem:v13+s12+$0x0], $0xffff  }
0x8a: {  	v20 =	vsub.bf16 v20, v22;
	v17 =	vor.u32 $0x7, v29;
	v13 =	vor.u32 $0x5, v29;
	v12 =	vld.idx.msk [tilespmem:v12+s12+$0x0], $0xffff  }
0x8b: {  	v22 =	vor.u32 $0x4, v29;
	v34 =	vor.u32 $0x8, v29;
	v35 =	vmul.bf16 v2, v2;
	v2 =	vld [tilespmem:s29+$0x0];
	s29 =	smov.u32 s28  }
0x8c: {  	v19 =	vmul.bf16 v19, v19;
	v37 =	vor.u32 $0x9, v29;
	v38 =	vor.u32 $0xA, v29;
	v36 =	vld.idx.msk [tilespmem:v29+s11+$0x0], $0xffff  }
0x8d: {  	v40 =	vor.u32 $0xB, v29;
	v1 =	vadd.f32 v11, v1;
	v21 =	vsub.bf16 v28, v21;
	v39 =	vld.idx.msk [tilespmem:v27+s11+$0x0], $0xffff  }
0x8e: {  	v18 =	vmul.bf16 v18, v18;
	v25 =	vadd.bf16 v25, v26;
	v20 =	vmul.bf16 v20, v20;
	v11 =	vld.idx.msk [tilespmem:v29+s12+$0x0], $0xffff  }
0x8f: {  	v19 =	vadd.bf16 v19, v35;
	v21 =	vmul.bf16 v21, v21;
	v10 =	vsub.bf16 v31, v10;
	v26 =	vld.idx.msk [tilespmem:v27+s12+$0x0], $0xffff  }
0x90: {  	v15 =	vadd.bf16 v15, v24;
	v24 =	vmul.bf16 v7, v7;
	v12 =	vsub.bf16 v23, v12;
	v27 =	vld.idx.msk [tilespmem:v30+s12+$0x0], $0xffff  }
0x91: {  	v4 =	vadd.bf16 v18, v4;
	v14 =	vsub.bf16 v14, v16;
	v10 =	vmul.bf16 v10, v10;
	v23 =	vld.idx.msk [tilespmem:v38+s12+$0x0], $0xffff  }
0x92: {  	v9 =	vadd.f32 $1.500000000e+00, v9;
	v16 =	vadd.bf16 v24, v25;
	v12 =	vmul.bf16 v12, v12;
	v7 =	vld.idx.msk [tilespmem:v40+s12+$0x0], $0xffff  }
0x93: {  	v4 =	vadd.bf16 v8, v4;
	v8 =	vmul.bf16 v14, v14;
	v19 =	vadd.bf16 v20, v19;
	v18 =	vld.idx.msk [tilespmem:v38+s11+$0x0], $0xffff  }
0x94: {  	v6 =	vmul.f32 v6, v9;
	v15 =	vadd.bf16 v21, v15;
	v12 =	vadd.bf16 v12, v16;
	v14 =	vld.idx.msk [tilespmem:v33+s12+$0x0], $0xffff  }
0x95: {  	v4 =	vadd.bf16 v8, v4;
	v10 =	vadd.bf16 v10, v19;
	v9 =	vld.idx.msk [tilespmem:v34+s12+$0x0], $0xffff  }
0x96: {  	v16 =	vmul.f32 v6, v6;
	v8 =	vld.idx.msk [tilespmem:v34+s11+$0x0], $0xffff  }
0x97: {  	v10 =	vadd.bf16 v10, v15;
	v4 =	vadd.bf16 v12, v4;
	v19 =	vld.idx.msk [tilespmem:v13+s12+$0x0], $0xffff  }
0x98: {  	v12 =	vmul.f32 v16, v5;
	v15 =	vld.idx.msk [tilespmem:v22+s11+$0x0], $0xffff  }
0x99: {  	v4 =	vadd.bf16 v4, v10;
	v18 =	vsub.bf16 v18, v23;
	v16 =	vld.idx.msk [tilespmem:v17+s11+$0x0], $0xffff  }
0x9a: {  	v12 =	vadd.f32 $1.500000000e+00, v12;
	v20 =	vld.idx.msk [tilespmem:v22+s12+$0x0], $0xffff  }
0x9b: {  	v28 =	vld.idx.msk [tilespmem:v17+s12+$0x0], $0xffff;
	v17 =	vshll.u32 v4, $0x10  }
0x9c: {  	v31 =	vmul.f32 v12, v6;
	v9 =	vsub.bf16 v8, v9;
	v10 =	vld.idx.msk [tilespmem:v32+s12+$0x0], $0xffff;
	v4 =	vadd.f32 v17, v4  }
0x9d: {  	v22 =	vld.idx.msk [tilespmem:v13+s11+$0x0], $0xffff;
	v13 =	vor.u32 $0xD, v29  }
0x9e: {  	v12 =	vor.u32 $0xF, v29;
	v6 =	vmul.f32 v31, v31;
	v33 =	vld.idx.msk [tilespmem:v33+s11+$0x0], $0xffff;
	v4 =	vadd.f32 $9.999999960e-13, v4  }
0x9f: {  	v21 =	vor.u32 $0xC, v29;
	v8 =	vsub.bf16 v36, v11;
	v29 =	vor.u32 $0xE, v29;
	v11 =	vld.idx.msk [tilespmem:v30+s11+$0x0], $0xffff  }
0xa0: {  	v25 =	vmul.f32 v6, v5;
	v15 =	vsub.bf16 v15, v20;
	v17 =	vld.idx.msk [tilespmem:v32+s11+$0x0], $0xffff;
	v20 =	vshra.s32 v4, $0x1  }
.Ltmp0:
0xa1: {  	v24 =	vmul.bf16 v8, v8;
	v8 =	vmul.bf16 v18, v18;
	v23 =	vld.idx.msk [tilespmem:v40+s11+$0x0], $0xffff;
	v6 =	vsub.s32 $0x5F3759DF, v20;
	(pc) =	sbr.rel @p0 .LBB2_3-.Ltmp0, $4  }
0xa2: {  	v5 =	vmul.f32 $-5.000000000e-01, v4;
	v32 =	vadd.f32 $1.500000000e+00, v25;
	v20 =	vld.idx.msk [tilespmem:v37+s11+$0x0], $0xffff;
	v30 =	vmul.f32 v6, v6  }
0xa3: {  	v25 =	vmul.bf16 v15, v15;
	v15 =	vmul.bf16 v9, v9;
	v19 =	vsub.bf16 v22, v19;
	v22 =	vld.idx.msk [tilespmem:v37+s12+$0x0], $0xffff  }
0xa4: {  	v28 =	vsub.bf16 v16, v28;
	v18 =	vsub.bf16 v33, v14;
	v14 =	vld.idx.msk [tilespmem:v29+s11+$0x0], $0xffff;
	v9 =	vmul.f32 v30, v5  }
0xa5: {  	v26 =	vsub.bf16 v39, v26;
	v27 =	vsub.bf16 v11, v27;
	v11 =	vmul.f32 v32, v31;
	v16 =	vld.idx.msk [tilespmem:v29+s12+$0x0], $0xffff  }
0xa6: {  	_ =	sdelay $0x3  }
0xa7: {  	v29 =	vld.idx.msk [tilespmem:v21+s11+$0x0], $0xffff  }
0xa8: {  	v30 =	vld.idx.msk [tilespmem:v12+s11+$0x0], $0xffff  }
0xa9: {  	v21 =	vld.idx.msk [tilespmem:v21+s12+$0x0], $0xffff  }
0xaa: {  	v31 =	vld.idx.msk [tilespmem:v13+s11+$0x0], $0xffff;
	v24 =	vadd.bf16 v25, v24  }
0xab: {  	v25 =	vmul.bf16 v28, v28;
	v10 =	vsub.bf16 v17, v10;
	v12 =	vld.idx.msk [tilespmem:v12+s12+$0x0], $0xffff;
	v19 =	vmul.bf16 v19, v19  }
0xac: {  	v13 =	vld.idx.msk [tilespmem:v13+s12+$0x0], $0xffff;
	v7 =	vsub.bf16 v23, v7;
	v18 =	vmul.bf16 v18, v18;
	v23 =	vmul.bf16 v27, v27  }
0xad: {  	v17 =	vmul.bf16 v26, v26;
	v10 =	vmul.bf16 v10, v10  }
0xae: {  	v20 =	vsub.bf16 v20, v22;
	v22 =	vadd.bf16 v25, v23  }
0xaf: {  	v17 =	vadd.bf16 v18, v17;
	v10 =	vadd.bf16 v19, v10  }
0xb0: {  	v19 =	vmul.bf16 v7, v7;
	v14 =	vsub.bf16 v14, v16;
	v12 =	vsub.bf16 v30, v12  }
0xb1: {  	p0 =	seq.s32 s22, $0x9;
	v20 =	vmul.bf16 v20, v20;
	v21 =	vsub.bf16 v29, v21;
	v13 =	vsub.bf16 v31, v13  }
0xb2: {  	s28 =	sadd.s32 $0x10, s28;
	s26 =	smin.u32 @!p0 s26, $0x2110;
	v7 =	vld [tilespmem:s29+$0x0];
	v17 =	vadd.bf16 v8, v17;
	v16 =	vadd.bf16 v19, v22;
	v12 =	vmul.bf16 v12, v12  }
0xb3: {  	s30 =	simm.s32 @!p0 $0x7540;
	s29 =	simm.s32 @!p0 $0x200;
	v8 =	vld [tilespmem:s28+$0x0];
	s28 =	sadd.s32 @!p0 $0x400, s26;
	v10 =	vadd.bf16 v20, v10;
	v14 =	vmul.bf16 v14, v14;
	v13 =	vmul.bf16 v13, v13  }
0xb4: {  	v15 =	vadd.bf16 v15, v24;
	[tilespmem:s30], [sflag:$0x1] =	stream.indirect.gather @!p0 [hbm4b:s3+s29], $0x10, s28, s29, $0xb8;
	v21 =	vmul.bf16 v21, v21;
	v12 =	vadd.bf16 v12, v16;
	[tilespmem:$0xF540] =	vst v63  }
0xb5: {  	s28 =	sadd.s32 @!p0 $0x2B10, s26;
	s30 =	simm.s32 @!p0 $0x9540;
	s26 =	simm.s32 $0x0;
	v10 =	vadd.bf16 v13, v10;
	v13 =	vadd.bf16 v14, v17  }
0xb6: {  	[tilespmem:s30], [sflag:$0x1] =	stream.indirect.gather @!p0 [hbm4b:s3+s29], $0x10, s28, s29, $0xb8;
	v15 =	vadd.bf16 v21, v15;
	v14 =	vmov s26;
	[tilespmem:$0xF540] =	vst v63  }
0xb7: {  	_ =	swait.ge [sflag:s16], $0x2000;
	v12 =	vadd.bf16 v12, v13;
	v13 =	vshll.u32 v14, $0x4  }
0xb8: {  	[sflag:s16] =	ssyncset.done $0x0;
	v10 =	vadd.bf16 v10, v15;
	v13 =	vor.u32 v0, v13  }
0xb9: {  	[sflag:s16] =	ssyncadd.s32 $0xFFFFE000  }
0xba: {  	_ =	swait.ge [sflag:s16], $0x2000;
	v10 =	vadd.bf16 v12, v10;
	v12 =	vor.u32 $0x2, v13  }
0xbb: {  	[sflag:s16] =	ssyncset.done $0x0;
	v15 =	vor.u32 $0x3, v13  }
0xbc: {  	v17 =	vor.u32 $0xA, v13;
	[sflag:s16] =	ssyncadd.s32 $0xFFFFE000  }
0xbd: {  	v16 =	vld.idx.msk [tilespmem:v13+s14+$0x0], $0xffff  }
0xbe: {  	v19 =	vor.u32 $0x8, v13;
	v20 =	vld.idx.msk [tilespmem:v13+s15+$0x0], $0xffff  }
0xbf: {  	v18 =	vld.idx.msk [tilespmem:v12+s15+$0x0], $0xffff  }
0xc0: {  	v23 =	vor.u32 $0x7, v13;
	v22 =	vld.idx.msk [tilespmem:v15+s15+$0x0], $0xffff  }
0xc1: {  	v9 =	vadd.f32 $1.500000000e+00, v9;
	v27 =	vor.u32 $0x6, v13;
	v61 =	vld.idx.msk [tilespmem:v17+s15+$0x0], $0xffff  }
0xc2: {  	v62 =	vor.u32 $0x4, v13;
	v17 =	vld.idx.msk [tilespmem:v17+s14+$0x0], $0xffff  }
0xc3: {  	v6 =	vmul.f32 v6, v9;
	v14 =	vshll.u32 v10, $0x10;
	v63 =	vld.idx.msk [tilespmem:v19+s15+$0x0], $0xffff  }
0xc4: {  	v32 =	vor.u32 $0x5, v13;
	v10 =	vadd.f32 v14, v10;
	v15 =	vld.idx.msk [tilespmem:v15+s14+$0x0], $0xffff  }
0xc5: {  	v44 =	vmul.f32 v6, v6;
	v33 =	vld.idx.msk [tilespmem:v23+s15+$0x0], $0xffff  }
0xc6: {  	v10 =	vadd.f32 $9.999999960e-13, v10;
	v34 =	vld.idx.msk [tilespmem:v27+s15+$0x0], $0xffff  }
0xc7: {  	v31 =	vmul.f32 v44, v5;
	v35 =	vld.idx.msk [tilespmem:v62+s15+$0x0], $0xffff  }
0xc8: {  	v37 =	vor.u32 $0xB, v13;
	v27 =	vld.idx.msk [tilespmem:v27+s14+$0x0], $0xffff;
	v21 =	vshra.s32 v10, $0x1  }
0xc9: {  	v31 =	vadd.f32 $1.500000000e+00, v31;
	v45 =	vld.idx.msk [tilespmem:v32+s15+$0x0], $0xffff;
	v21 =	vsub.s32 $0x5F3759DF, v21  }
0xca: {  	v12 =	vld.idx.msk [tilespmem:v12+s14+$0x0], $0xffff;
	v25 =	vmul.f32 $-5.000000000e-01, v10;
	v26 =	vmul.f32 v21, v21  }
0xcb: {  	v6 =	vmul.f32 v31, v6;
	v9 =	vor.u32 $0x1, v13;
	v19 =	vld.idx.msk [tilespmem:v19+s14+$0x0], $0xffff  }
0xcc: {  	v23 =	vld.idx.msk [tilespmem:v23+s14+$0x0], $0xffff;
	v26 =	vmul.f32 v26, v25  }
0xcd: {  	v11 =	vmul.f32 v11, v3;
	v38 =	vmul.f32 v6, v6;
	v47 =	vld.idx.msk [tilespmem:v37+s14+$0x0], $0xffff  }
0xce: {  	v39 =	vor.u32 $0x9, v13;
	v37 =	vld.idx.msk [tilespmem:v37+s15+$0x0], $0xffff;
	v26 =	vadd.f32 $1.500000000e+00, v26  }
0xcf: {  	v2 =	vmul.f32 v11, v2;
	v41 =	vor.u32 $0xE, v13;
	v5 =	vmul.f32 v38, v5;
	v49 =	vld.idx.msk [tilespmem:v32+s14+$0x0], $0xffff  }
0xd0: {  	v46 =	vor.u32 $0xC, v13;
	v14 =	vor.u32 $0xF, v13;
	v21 =	vmul.f32 v21, v26;
	v26 =	vld.idx.msk [tilespmem:v9+s15+$0x0], $0xffff  }
0xd1: {  	v5 =	vadd.f32 $1.500000000e+00, v5;
	v13 =	vor.u32 $0xD, v13;
	v3 =	vsub.bf16 v16, v20;
	v9 =	vld.idx.msk [tilespmem:v9+s14+$0x0], $0xffff  }
0xd2: {  	v29 =	vld.idx.msk [tilespmem:v62+s14+$0x0], $0xffff;
	v15 =	vsub.bf16 v15, v22;
	v16 =	vsub.bf16 v27, v34;
	v36 =	vmul.f32 v21, v21  }
0xd3: {  	v42 =	vmul.f32 v5, v6;
	v5 =	vld.idx.msk [tilespmem:v39+s14+$0x0], $0xffff;
	v12 =	vsub.bf16 v12, v18;
	v19 =	vsub.bf16 v19, v63  }
0xd4: {  	v48 =	vld.idx.msk [tilespmem:v41+s14+$0x0], $0xffff;
	v23 =	vsub.bf16 v23, v33;
	v17 =	vsub.bf16 v17, v61;
	v36 =	vmul.f32 v36, v25  }
0xd5: {  	s28 =	simm.s32 $0x10;
	v24 =	vld.idx.msk [tilespmem:v14+s14+$0x0], $0xffff;
	v53 =	vsub.bf16 v47, v37;
	v30 =	vsub.bf16 v49, v45;
	v22 =	vmul.bf16 v3, v3  }
0xd6: {  	v14 =	vld.idx.msk [tilespmem:v14+s15+$0x0], $0xffff;
	v9 =	vsub.bf16 v9, v26;
	v26 =	vmov s28;
	v36 =	vadd.f32 $1.500000000e+00, v36  }
0xd7: {  	v20 =	vld.idx.msk [tilespmem:v39+s15+$0x0], $0xffff;
	v3 =	vsub.bf16 v29, v35;
	v12 =	vmul.bf16 v12, v12;
	v26 =	vshll.u32 v26, $0x4  }
0xd8: {  	v52 =	vld.idx.msk [tilespmem:v13+s14+$0x0], $0xffff;
	v16 =	vmul.bf16 v16, v16;
	v26 =	vor.u32 v0, v26;
	v21 =	vmul.f32 v36, v21  }
0xd9: {  	v13 =	vld.idx.msk [tilespmem:v13+s15+$0x0], $0xffff;
	v15 =	vmul.bf16 v15, v15;
	v51 =	vmul.bf16 v3, v3;
	v50 =	vor.u32 $0x2, v26  }
0xda: {  	v18 =	vld.idx.msk [tilespmem:v46+s14+$0x0], $0xffff;
	v12 =	vadd.bf16 v16, v12;
	v16 =	vor.u32 $0x3, v26;
	v40 =	vmul.f32 v21, v21  }
0xdb: {  	v27 =	vld.idx.msk [tilespmem:v41+s15+$0x0], $0xffff;
	v19 =	vmul.bf16 v19, v19;
	v23 =	vmul.bf16 v23, v23;
	v3 =	vor.u32 $0xF, v26  }
0xdc: {  	v22 =	vadd.bf16 v51, v22;
	v54 =	vor.u32 $0xA, v26;
	v6 =	vmul.f32 v40, v25;
	v25 =	vld.idx.msk [tilespmem:v46+s15+$0x0], $0xffff  }
0xdd: {  	v34 =	vmul.bf16 v53, v53;
	v30 =	vmul.bf16 v30, v30;
	v56 =	vld.idx.msk [tilespmem:v26+s15+$0x0], $0xffff  }
0xde: {  	v17 =	vmul.bf16 v17, v17;
	v19 =	vadd.bf16 v19, v22;
	v22 =	vor.u32 $0x8, v26;
	v55 =	vld.idx.msk [tilespmem:v50+s15+$0x0], $0xffff  }
0xdf: {  	v14 =	vsub.bf16 v24, v14;
	v20 =	vsub.bf16 v5, v20;
	v9 =	vmul.bf16 v9, v9;
	v57 =	vld.idx.msk [tilespmem:v16+s15+$0x0], $0xffff  }
0xe0: {  	v15 =	vadd.bf16 v23, v15;
	v13 =	vsub.bf16 v52, v13;
	v23 =	vor.u32 $0x6, v26;
	v5 =	vld.idx.msk [tilespmem:v3+s14+$0x0], $0xffff  }
0xe1: {  	v20 =	vmul.bf16 v20, v20;
	v58 =	vor.u32 $0x7, v26;
	v9 =	vadd.bf16 v30, v9;
	v24 =	vld.idx.msk [tilespmem:v54+s15+$0x0], $0xffff  }
0xe2: {  	v27 =	vsub.bf16 v48, v27;
	v14 =	vmul.bf16 v14, v14;
	v59 =	vor.u32 $0x1, v26;
	v28 =	vld.idx.msk [tilespmem:v54+s14+$0x0], $0xffff  }
0xe3: {  	v13 =	vmul.bf16 v13, v13;
	v9 =	vadd.bf16 v20, v9;
	v60 =	vld.idx.msk [tilespmem:v22+s15+$0x0], $0xffff;
	v18 =	vsub.bf16 v18, v25  }
0xe4: {  	v15 =	vadd.bf16 v34, v15;
	v12 =	vadd.bf16 v17, v12;
	v27 =	vmul.bf16 v27, v27;
	v16 =	vld.idx.msk [tilespmem:v16+s14+$0x0], $0xffff  }
0xe5: {  	v9 =	vadd.bf16 v13, v9;
	v13 =	vld.idx.msk [tilespmem:v23+s15+$0x0], $0xffff;
	v20 =	vadd.f32 $1.500000000e+00, v6;
	v18 =	vmul.bf16 v18, v18  }
0xe6: {  	v11 =	vadd.bf16 v14, v15;
	v12 =	vadd.bf16 v27, v12;
	v17 =	vor.u32 $0x4, v26;
	v62 =	vld.idx.msk [tilespmem:v58+s14+$0x0], $0xffff  }
0xe7: {  	v6 =	vor.u32 $0x5, v26;
	v14 =	vmul.f32 v20, v21;
	v20 =	vld.idx.msk [tilespmem:v59+s15+$0x0], $0xffff;
	v18 =	vadd.bf16 v18, v19  }
0xe8: {  	v4 =	vmul.f32 v42, v4;
	v21 =	vld.idx.msk [tilespmem:v59+s14+$0x0], $0xffff  }
0xe9: {  	v11 =	vadd.bf16 v11, v12;
	v25 =	vld.idx.msk [tilespmem:v26+s14+$0x0], $0xffff;
	v9 =	vadd.bf16 v9, v18  }
0xea: {  	v1 =	vadd.f32 v2, v1;
	v2 =	vmul.f32 v4, v7;
	v4 =	vmul.f32 v14, v10;
	v10 =	vld.idx.msk [tilespmem:v23+s14+$0x0], $0xffff  }
0xeb: {  	v14 =	vor.u32 $0xB, v26;
	v23 =	vld.idx.msk [tilespmem:v17+s14+$0x0], $0xffff;
	v9 =	vadd.bf16 v11, v9  }
0xec: {  	v1 =	vadd.f32 v2, v1;
	v7 =	vld.idx.msk [tilespmem:v6+s15+$0x0], $0xffff;
	v2 =	vmul.f32 v4, v8  }
0xed: {  	v27 =	vor.u32 $0x9, v26;
	v4 =	vld.idx.msk [tilespmem:v50+s14+$0x0], $0xffff;
	v8 =	vshll.u32 v9, $0x10  }
0xee: {  	v19 =	vld.idx.msk [tilespmem:v58+s15+$0x0], $0xffff;
	v1 =	vadd.f32 v2, v1;
	v2 =	vadd.f32 v8, v9  }
0xef: {  	v61 =	vor.u32 $0xC, v26;
	v21 =	vsub.bf16 v21, v20;
	v18 =	vld.idx.msk [tilespmem:v17+s15+$0x0], $0xffff  }
0xf0: {  	v12 =	vor.u32 $0xD, v26;
	v17 =	vld.idx.msk [tilespmem:v14+s15+$0x0], $0xffff;
	v9 =	vsub.bf16 v25, v56;
	v2 =	vadd.f32 $9.999999960e-13, v2  }
0xf1: {  	v20 =	vor.u32 $0xE, v26;
	v63 =	vsub.bf16 v10, v13;
	v11 =	vsub.bf16 v16, v57;
	v25 =	vld.idx.msk [tilespmem:v22+s14+$0x0], $0xffff  }
0xf2: {  	v10 =	vld.idx.msk [tilespmem:v27+s14+$0x0], $0xffff;
	v15 =	vmul.bf16 v9, v9;
	v9 =	vsub.bf16 v4, v55;
	v4 =	vshra.s32 v2, $0x1  }
0xf3: {  	v16 =	vld.idx.msk [tilespmem:v14+s14+$0x0], $0xffff;
	v26 =	vsub.bf16 v62, v19;
	v11 =	vmul.bf16 v11, v11;
	v13 =	vsub.s32 $0x5F3759DF, v4  }
0xf4: {  	v14 =	vld.idx.msk [tilespmem:v27+s15+$0x0], $0xffff;
	v8 =	vsub.bf16 v28, v24;
	v4 =	vmul.f32 $-5.000000000e-01, v2;
	v27 =	vmul.f32 v13, v13  }
0xf5: {  	v24 =	vsub.bf16 v23, v18;
	v18 =	vld.idx.msk [tilespmem:v61+s14+$0x0], $0xffff;
	v23 =	vmul.bf16 v63, v63;
	v22 =	vmul.bf16 v9, v9  }
0xf6: {  	s30 =	simm.s32 $0x20;
	s29 =	smov.u32 s25;
	v9 =	vmul.bf16 v21, v21;
	v21 =	vld.idx.msk [tilespmem:v61+s15+$0x0], $0xffff;
	v25 =	vsub.bf16 v25, v60;
	v19 =	vmul.f32 v27, v4  }
.LBB2_5:
0xf7: {  	p0 =	sne.s32 s30, $0x1F0  }
0xf8: {  	v27 =	vmov s30;
	v24 =	vmul.bf16 v24, v24;
	v25 =	vmul.bf16 v25, v25;
	v28 =	vld.idx.msk [tilespmem:v20+s15+$0x0], $0xffff;
	s25 =	sadd.s32 $0x10, s25;
	s31 =	smov.u32 s30;
	s30 =	sadd.s32 $0x10, s30  }
0xf9: {  	v27 =	vshll.u32 v27, $0x4;
	v26 =	vmul.bf16 v26, v26;
	v20 =	vld.idx.msk [tilespmem:v20+s14+$0x0], $0xffff;
	v19 =	vadd.f32 $1.500000000e+00, v19  }
0xfa: {  	v16 =	vsub.bf16 v16, v17;
	v22 =	vadd.bf16 v23, v22;
	v27 =	vor.u32 v0, v27;
	v29 =	vld.idx.msk [tilespmem:v6+s14+$0x0], $0xffff  }
0xfb: {  	v17 =	vor.u32 $0x2, v27;
	v23 =	vor.u32 $0x3, v27;
	v30 =	vld.idx.msk [tilespmem:v3+s15+$0x0], $0xffff;
	v13 =	vmul.f32 v13, v19  }
0xfc: {  	v19 =	vor.u32 $0x1, v27;
	v31 =	vor.u32 $0x6, v27;
	v3 =	vor.u32 $0xF, v27;
	v32 =	vld.idx.msk [tilespmem:v12+s14+$0x0], $0xffff  }
0xfd: {  	v15 =	vadd.bf16 v24, v15;
	v33 =	vor.u32 $0x4, v27;
	v6 =	vor.u32 $0x5, v27;
	v12 =	vld.idx.msk [tilespmem:v12+s15+$0x0], $0xffff  }
0xfe: {  	v24 =	vor.u32 $0x7, v27;
	v34 =	vor.u32 $0x8, v27;
	v18 =	vsub.bf16 v18, v21;
	v21 =	vld [tilespmem:s29+$0x0];
	s29 =	smov.u32 s25  }
0xff: {  	v16 =	vmul.bf16 v16, v16;
	v36 =	vor.u32 $0xA, v27;
	v11 =	vadd.bf16 v26, v11;
	v35 =	vld.idx.msk [tilespmem:v27+s14+$0x0], $0xffff  }
0x100: {  	v15 =	vadd.bf16 v25, v15;
	v25 =	vmul.f32 v13, v13;
	v20 =	vsub.bf16 v20, v28;
	v26 =	vld.idx.msk [tilespmem:v17+s15+$0x0], $0xffff  }
0x101: {  	v8 =	vmul.bf16 v8, v8;
	v11 =	vadd.bf16 v16, v11;
	v7 =	vsub.bf16 v29, v7;
	v28 =	vld.idx.msk [tilespmem:v27+s15+$0x0], $0xffff  }
0x102: {  	v10 =	vsub.bf16 v10, v14;
	v14 =	vmul.bf16 v20, v20;
	v20 =	vmul.f32 v25, v4;
	v16 =	vld.idx.msk [tilespmem:v23+s15+$0x0], $0xffff  }
0x103: {  	v18 =	vmul.bf16 v18, v18;
	v7 =	vmul.bf16 v7, v7;
	v12 =	vsub.bf16 v32, v12;
	v25 =	vld.idx.msk [tilespmem:v3+s14+$0x0], $0xffff  }
0x104: {  	v10 =	vmul.bf16 v10, v10;
	v5 =	vsub.bf16 v5, v30;
	v20 =	vadd.f32 $1.500000000e+00, v20;
	v29 =	vld.idx.msk [tilespmem:v36+s15+$0x0], $0xffff  }
0x105: {  	v7 =	vadd.bf16 v7, v9;
	v9 =	vadd.bf16 v18, v15;
	v30 =	vld.idx.msk [tilespmem:v36+s14+$0x0], $0xffff  }
0x106: {  	v8 =	vadd.bf16 v8, v22;
	v22 =	vmul.bf16 v5, v5;
	v13 =	vmul.f32 v20, v13;
	v18 =	vld.idx.msk [tilespmem:v34+s15+$0x0], $0xffff  }
0x107: {  	v7 =	vadd.bf16 v10, v7;
	v10 =	vmul.bf16 v12, v12;
	v15 =	vsub.bf16 v35, v28;
	v20 =	vld.idx.msk [tilespmem:v23+s14+$0x0], $0xffff  }
0x108: {  	v8 =	vadd.bf16 v14, v8;
	v12 =	vmul.f32 v13, v13;
	v28 =	vld.idx.msk [tilespmem:v24+s15+$0x0], $0xffff  }
0x109: {  	v7 =	vadd.bf16 v10, v7;
	v10 =	vadd.bf16 v22, v11;
	v5 =	vmov v25;
	v14 =	vld.idx.msk [tilespmem:v31+s15+$0x0], $0xffff  }
0x10a: {  	v4 =	vmul.f32 v12, v4;
	v22 =	vld.idx.msk [tilespmem:v19+s15+$0x0], $0xffff  }
0x10b: {  	v9 =	vadd.bf16 v7, v9;
	v10 =	vadd.bf16 v10, v8;
	v23 =	vld.idx.msk [tilespmem:v33+s15+$0x0], $0xffff  }
0x10c: {  	v8 =	vsub.bf16 v30, v29;
	v4 =	vadd.f32 $1.500000000e+00, v4;
	v11 =	vld.idx.msk [tilespmem:v31+s14+$0x0], $0xffff  }
0x10d: {  	v9 =	vadd.bf16 v10, v9;
	v16 =	vsub.bf16 v20, v16;
	v7 =	vld.idx.msk [tilespmem:v6+s15+$0x0], $0xffff  }
0x10e: {  	v4 =	vmul.f32 v4, v13;
	v10 =	vld.idx.msk [tilespmem:v17+s14+$0x0], $0xffff;
	v17 =	vor.u32 $0xB, v27  }
0x10f: {  	v12 =	vshll.u32 v9, $0x10;
	v13 =	vld.idx.msk [tilespmem:v19+s14+$0x0], $0xffff  }
0x110: {  	v25 =	vor.u32 $0x9, v27;
	v9 =	vadd.f32 v12, v9;
	v4 =	vmul.f32 v4, v2;
	v19 =	vld.idx.msk [tilespmem:v33+s14+$0x0], $0xffff  }
0x111: {  	v30 =	vor.u32 $0xC, v27;
	v12 =	vor.u32 $0xD, v27;
	v29 =	vld.idx.msk [tilespmem:v34+s14+$0x0], $0xffff  }
0x112: {  	s1 =	sadd.s32 s26, s24;
	s26 =	smov.u32 s28;
	s28 =	smov.u32 s31;
	v2 =	vadd.f32 $9.999999960e-13, v9;
	v4 =	vmul.f32 v4, v21;
	v31 =	vsub.bf16 v11, v14;
	v32 =	vld.idx.msk [tilespmem:v24+s14+$0x0], $0xffff  }
0x113: {  	p1 =	sge.u32 s1, s23;
	v15 =	vmul.bf16 v15, v15;
	v20 =	vor.u32 $0xE, v27;
	v11 =	vmul.bf16 v16, v16;
	v16 =	vld.idx.msk [tilespmem:v17+s14+$0x0], $0xffff  }
.Ltmp1:
0x114: {  	v14 =	vshra.s32 v2, $0x1;
	v21 =	vpsel !p1, $0x0, v4;
	v9 =	vsub.bf16 v10, v26;
	v17 =	vld.idx.msk [tilespmem:v17+s15+$0x0], $0xffff;
	(pc) =	sbr.rel @p0 .LBB2_5-.Ltmp1, $4  }
0x115: {  	v4 =	vmul.f32 $-5.000000000e-01, v2;
	v26 =	vsub.bf16 v13, v22;
	v13 =	vsub.s32 $0x5F3759DF, v14;
	v10 =	vld.idx.msk [tilespmem:v25+s14+$0x0], $0xffff  }
0x116: {  	v22 =	vmul.bf16 v9, v9;
	v24 =	vsub.bf16 v19, v23;
	v19 =	vmul.f32 v13, v13;
	v14 =	vld.idx.msk [tilespmem:v25+s15+$0x0], $0xffff  }
0x117: {  	v1 =	vadd.f32 v21, v1;
	v9 =	vmul.bf16 v26, v26;
	v25 =	vsub.bf16 v29, v18;
	v18 =	vld.idx.msk [tilespmem:v30+s14+$0x0], $0xffff  }
0x118: {  	v23 =	vmul.bf16 v31, v31;
	v26 =	vsub.bf16 v32, v28;
	v19 =	vmul.f32 v19, v4;
	v21 =	vld.idx.msk [tilespmem:v30+s15+$0x0], $0xffff  }
0x119: {  	_ =	sdelay $0x3  }
0x11a: {  	v27 =	vld.idx.msk [tilespmem:v20+s15+$0x0], $0xffff  }
0x11b: {  	v6 =	vld.idx.msk [tilespmem:v6+s14+$0x0], $0xffff  }
0x11c: {  	v38 =	vld.idx.msk [tilespmem:v20+s14+$0x0], $0xffff  }
0x11d: {  	v24 =	vmul.bf16 v24, v24;
	v28 =	vld.idx.msk [tilespmem:v12+s14+$0x0], $0xffff  }
0x11e: {  	v40 =	vld.idx.msk [tilespmem:v12+s15+$0x0], $0xffff;
	v16 =	vsub.bf16 v16, v17;
	v8 =	vmul.bf16 v8, v8  }
0x11f: {  	v3 =	vld.idx.msk [tilespmem:v3+s15+$0x0], $0xffff;
	v22 =	vadd.bf16 v23, v22;
	v41 =	vmul.bf16 v26, v26;
	v15 =	vadd.bf16 v24, v15  }
0x120: {  	v39 =	vmul.bf16 v25, v25;
	v10 =	vsub.bf16 v10, v14;
	v6 =	vsub.bf16 v6, v7  }
0x121: {  	v43 =	vadd.bf16 v41, v11;
	v8 =	vadd.bf16 v8, v22  }
0x122: {  	v42 =	vsub.bf16 v18, v21;
	v15 =	vadd.bf16 v39, v15;
	v6 =	vmul.bf16 v6, v6  }
0x123: {  	v44 =	vmul.bf16 v16, v16;
	v45 =	vsub.bf16 v38, v27;
	v46 =	vsub.bf16 v28, v40  }
0x124: {  	v10 =	vmul.bf16 v10, v10;
	v3 =	vsub.bf16 v5, v3;
	v47 =	vadd.bf16 v6, v9  }
0x125: {  	v7 =	vadd.bf16 v44, v43;
	v49 =	vmul.bf16 v42, v42;
	v48 =	vmul.bf16 v45, v45  }
0x126: {  	v3 =	vmul.bf16 v3, v3;
	v50 =	vmul.bf16 v46, v46;
	v5 =	vadd.bf16 v10, v47  }
0x127: {  	v9 =	vadd.bf16 v49, v15;
	v6 =	vadd.bf16 v48, v8  }
0x128: {  	v3 =	vadd.bf16 v3, v7;
	v5 =	vadd.bf16 v50, v5;
	_ =	sdelay $0x1  }
0x129: {  	v3 =	vadd.bf16 v3, v6;
	v5 =	vadd.bf16 v5, v9;
	_ =	sdelay $0x1  }
0x12a: {  	v3 =	vadd.bf16 v3, v5;
	_ =	sdelay $0x1  }
0x12b: {  	v5 =	vshll.u32 v3, $0x10  }
0x12c: {  	v3 =	vadd.f32 v5, v3;
	_ =	sdelay $0x1  }
0x12d: {  	v3 =	vadd.f32 $9.999999960e-13, v3;
	_ =	sdelay $0x1  }
0x12e: {  	v51 =	vshra.s32 v3, $0x1  }
0x12f: {  	v5 =	vsub.s32 $0x5F3759DF, v51  }
0x130: {  	v54 =	vadd.f32 $1.500000000e+00, v19;
	v52 =	vmul.f32 $-5.000000000e-01, v3;
	v53 =	vmul.f32 v5, v5;
	_ =	sdelay $0x1  }
0x131: {  	v8 =	vmul.f32 v13, v54;
	v7 =	vmul.f32 v53, v52;
	_ =	sdelay $0x1  }
0x132: {  	v55 =	vmul.f32 v8, v8;
	v7 =	vadd.f32 $1.500000000e+00, v7;
	_ =	sdelay $0x1  }
0x133: {  	v56 =	vmul.f32 v55, v4;
	v5 =	vmul.f32 v5, v7;
	_ =	sdelay $0x1  }
0x134: {  	v7 =	vadd.f32 $1.500000000e+00, v56;
	v57 =	vmul.f32 v5, v5;
	_ =	sdelay $0x1  }
0x135: {  	v7 =	vmul.f32 v7, v8;
	v9 =	vmul.f32 v57, v52;
	_ =	sdelay $0x1  }
0x136: {  	v59 =	vmul.f32 v7, v7;
	v58 =	vadd.f32 $1.500000000e+00, v9;
	_ =	sdelay $0x1  }
0x137: {  	v60 =	vmul.f32 v59, v4;
	v5 =	vmul.f32 v58, v5;
	_ =	sdelay $0x1  }
0x138: {  	v4 =	vadd.f32 $1.500000000e+00, v60;
	v8 =	vmul.f32 v5, v5  }
0x139: {  	v61 =	vld [tilespmem:s29+$0x0]  }
0x13a: {  	v4 =	vmul.f32 v4, v7;
	v6 =	vmul.f32 v8, v52;
	_ =	sdelay $0x1  }
0x13b: {  	s1 =	sadd.s32 $0x10, s25;
	v2 =	vmul.f32 v4, v2;
	v6 =	vadd.f32 $1.500000000e+00, v6  }
0x13c: {  	v62 =	vld [tilespmem:s1+$0x0]  }
0x13d: {  	s30 =	sadd.s32 s26, s24;
	v2 =	vmul.f32 v2, v61;
	v63 =	vmul.f32 v6, v5  }
0x13e: {  	s22 =	sadd.s32 $0x1, s22;
	p0 =	sge.u32 s30, s23  }
0x13f: {  	v2 =	vpsel !p0, $0x0, v2;
	p0 =	sne.s32 s22, $0xA;
	v3 =	vmul.f32 v63, v3  }
.Ltmp2:
0x140: {  	_ = 	snop;
	(pc) =	sbr.rel @p0 .LBB2_2-.Ltmp2, $4  }
0x141: {  	s31 =	sadd.s32 s28, s24;
	v3 =	vmul.f32 v3, v62  }
0x142: {  	p6 =	sge.u32 s31, s23;
	v1 =	vadd.f32 v2, v1  }
0x143: {  	v2 =	vpsel !p6, $0x0, v3  }
0x144: {  	s20 =	sadd.s32 $0x400, s20;
	s21 =	sadd.s32 $0x400, s21;
	v1 =	vadd.f32 v2, v1  }
0x145: {  	s19 =	sadd.s32 $0x1, s19  }
0x146: {  	p0 =	sne.s32 s19, s8  }
.Ltmp3:
0x147: {  	[tilespmem:$0x7530] =	vst v1;
	(pc) =	sbr.rel @p0 .LBB2_1-.Ltmp3, $4  }
0x148: {  	[hbm4b:s7+s2] =	stream.linear.scatter [tilespmem:s17], [sflag:$0x3], $0x10, $0x38;
	[tilespmem:$0xF540] =	vst v63  }
0x149: {  	_ =	swait.ge [sflag:s18], $0x10  }
0x14a: {  	[sflag:s18] =	ssyncset.done $0x0  }
0x14b: {  	[sflag:s18] =	ssyncadd.s32 $0xFFFFFFF0  }
0x14c: {  	_ =	sfence.sel $0x180000  }
0x14d: {  	[bflag:$0x0] =	sbarrier.arrive $0xFFFF  }
0x14e: {  	_ =	strace $0x90000047  }
0x14f: {  	[bflag:$0x2] =	sbarrier.arrive $0xFFFF  }
0x150: {  	p0 =	sne.s32 s0, $0x0;
	s0 =	rddreg [dreg:$0x2]  }
0x151: {  	s0 =	sadd.s32 @!p0 $0x100000, s0  }
0x152: {  	[sflag:s0] =	ssyncadd.tile.s32 @!p0 $0x1;
	_ =	shalt  }
.Lfunc_end2:
_tile_overlayer_lowered:
.L_overlay_start_2:
0x153: {  	(tag) =	ssettag $0x2  }
0x154: {  	s0 =	rddreg [dreg:$0x0];
	s2 =	stileid.u32  }
0x155: {  	s1 =	rddreg [dreg:$0x1];
	p0 =	sne.s32 s2, $0x0  }
0x156: {  	s3 =	rddreg [dreg:$0x2];
	[bflag:$0x3] =	sbarrier.arrive $0xFFFF;
	s2 =	simm.s32 @!p0 $0x1C03  }
0x157: {  	[timem:s3], [sflag:s2] =	dma.local @!p0 [hbm:s0], s1  }
0x158: {  	s0 =	simm.s32 @!p0 $0x3  }
0x159: {  	_ =	swait.ge @!p0 [sflag:s0], s1  }
0x15a: {  	s1 =	ssub.s32 @!p0 $0x0, s1;
	[sflag:s0] =	ssyncset.done @!p0 $0x0  }
0x15b: {  	[sflag:s0] =	ssyncadd.s32 @!p0 s1  }
0x15c: {  	[bflag:$0x3] =	sbarrier.arrive $0xFFFF  }
0x15d: {  	_ =	shalt  }

</sc_bundles>
